<compile_context>
chip_gen: v7x
topology: tpu7x:2x2x1
jax: 0.10.2.dev20260603
libtpu: 0.0.44.dev20260713+nightly
codegen_flags: <defaults>
</compile_context>

<pallas_src>
import functools

import jax
import jax.numpy as jnp
from jax import lax
from jax.experimental import pallas as pl
from jax.experimental.pallas import tpu as pltpu
from jax.experimental.pallas import tpu_sc as plsc

P = 8
C = 128
HW = 2048
NROWS = 128
L = 16
KV = C // L
VECS = HW // L
NW = 32
ROWS_PER_W = NROWS // NW
SEG = HW + L
CHUNK = 128


def _sc_pool(xr, labr):
    mesh = plsc.VectorSubcoreMesh(core_axis_name="c", subcore_axis_name="s")

    @functools.partial(
        pl.kernel,
        mesh=mesh,
        out_type=jax.ShapeDtypeStruct((NROWS * P * C,), jnp.float32),
        scratch_types=[
            pltpu.VMEM((HW,), jnp.int32),
            pltpu.VMEM((P * SEG + L,), jnp.int32),
            pltpu.VMEM((CHUNK, C), jnp.float32),
            pltpu.VMEM((CHUNK, C), jnp.float32),
            pltpu.VMEM((P * C,), jnp.float32),
            pltpu.SMEM((P,), jnp.int32),
            pltpu.SemaphoreType.DMA,
            pltpu.SemaphoreType.DMA,
            pltpu.SemaphoreType.DMA,
        ],
        compiler_params=pltpu.CompilerParams(needs_layout_passes=False),
    )
    def k(x_hbm, lab_hbm, out_hbm, lab_v, idx_buf, bufa, bufb, out_v,
          cnt_sm, sema, semb, semo):
        wid = lax.axis_index("s") * 2 + lax.axis_index("c")
        iota = lax.iota(jnp.int32, L)
        trash_idx = P * SEG + iota

        @plsc.parallel_loop(0, (P * SEG + L) // L, unroll=4)
        def _init(i):
            idx_buf[pl.ds(i * L, L)] = jnp.zeros((L,), jnp.int32)

        def row_body(rr, _):
            r = wid * ROWS_PER_W + rr
            pltpu.sync_copy(lab_hbm.at[r], lab_v)

            zero = jnp.zeros((L,), jnp.int32)

            @plsc.parallel_loop(0, VECS, unroll=2, carry=(zero,) * P)
            def _build(i, curs):
                lv = lab_v[pl.ds(i * L, L)]
                pix = iota + i * L
                new = []
                for p in range(P):
                    m = lv == p
                    mi = m.astype(jnp.int32)
                    rank = lax.cumsum(mi, axis=0) - 1
                    dest = jnp.where(m, p * SEG + curs[p] + rank, trash_idx)
                    plsc.store_scatter(idx_buf, [dest], pix)
                    new.append(curs[p] + plsc.all_reduce_population_count(m))
                return tuple(new)

            csplat = _build
            for p in range(P):
                cnt_sm[p] = jnp.max(csplat[p])

            xrow = x_hbm.at[r]

            def start_chunk(p, q, buf, sem):
                return

            def wait_chunk(p, q, buf, sem):
                return

            def part_body(p, _):
                cnt = cnt_sm[p]
                nch = (cnt + (CHUNK - 1)) // CHUNK

                @pl.when(nch >= 1)
                def _():
                    start_chunk(p, 0, bufa, sema)

                @pl.when(nch >= 2)
                def _():
                    start_chunk(p, 1, bufb, semb)

                def reduce_chunk(q, acc, buf):
                    cs = jnp.minimum(cnt - q * CHUNK, CHUNK)

                    @plsc.parallel_loop(0, cs, unroll=2, carry=acc)
                    def _red(i, a):
                        new = list(a)
                        for kk in range(KV):
                            v = buf[i, pl.ds(kk * L, L)]
                            new[kk] = new[kk] + v
                            new[KV + kk] = jnp.maximum(new[KV + kk], v)
                        return tuple(new)

                    return _red

                def pair_body(i, acc):
                    q0 = i * 2
                    wait_chunk(p, q0, bufa, sema)

                    @pl.when(q0 + 2 < nch)
                    def _():
                        start_chunk(p, q0 + 2, bufa, sema)

                    acc = reduce_chunk(q0, acc, bufa)
                    wait_chunk(p, q0 + 1, bufb, semb)

                    @pl.when(q0 + 3 < nch)
                    def _():
                        start_chunk(p, q0 + 3, bufb, semb)

                    return reduce_chunk(q0 + 1, acc, bufb)

                init = tuple([jnp.zeros((L,), jnp.float32)] * KV
                             + [jnp.full((L,), -100.0, jnp.float32)] * KV)
                acc = lax.fori_loop(0, nch // 2, pair_body, init)

                def tail(acc):
                    q = nch - 1
                    wait_chunk(p, q, bufa, sema)
                    return reduce_chunk(q, acc, bufa)

                acc = lax.cond(lax.rem(nch, 2) == 1, tail, lambda a: a, acc)

                cntf = jnp.full((L,), cnt).astype(jnp.float32)
                live = cntf > 0.0
                denom = jnp.maximum(cntf, 1.0)
                for kk in range(KV):
                    mean = acc[kk] / denom
                    mx = jnp.where(live, acc[KV + kk], 0.0)
                    out_v[pl.ds(p * C + kk * L, L)] = mean + mx
                return 0

            lax.fori_loop(0, P, part_body, 0)

            dst = out_hbm.at[pl.ds(r * P * C, P * C)]
            pltpu.make_async_copy(out_v, dst, semo).start()
            pltpu.make_async_copy(out_v, dst, semo).wait()
            return 0

        lax.fori_loop(0, ROWS_PER_W, row_body, 0)

    return k(xr, labr)


def kernel(x, part_labels):
    n, c, s, h, w = x.shape
    xr = x.transpose(0, 2, 3, 4, 1).reshape(n * s, h * w, c)
    labr = part_labels.reshape(n * s, h * w).astype(jnp.int32)
    pooled = _sc_pool(xr, labr)
    return pooled.reshape(n, s, P, c).transpose(0, 3, 1, 2)

# --- scband reference (transcript-rebuilt; emitter-appended) ---
"""Pipeline reference for scband-hard-part-pyramid-pooling-27324581937298 (READ-ONLY COPY).

The authoritative reference and input builder live on the scoring server;
editing this copy changes nothing except your own understanding.
"""

import jax, jax.numpy as jnp
import numpy as np

PARTS_NUM = 8


def setup_inputs(seed: int = 0) -> dict:
    key = jax.random.key(seed)
    k1, k2 = jax.random.split(key)
    x = jax.random.normal(k1, (8, 128, 16, 64, 32), dtype=jnp.float32)
    part_labels = jax.random.randint(k2, (8, 16, 64, 32), 0, PARTS_NUM)
    return {"x": x, "part_labels": part_labels}


def reference(x, part_labels):
    n, c, s, h, w = x.shape
    P = PARTS_NUM
    hw = h * w
    ns = n * s
    # rearrange 'n c s h w -> (n s) c (h w)'
    feat = jnp.transpose(x, (0, 2, 1, 3, 4)).reshape(ns, c, hw)
    # rearrange 'n s h w -> (n s) (h w)'  (labels already match (h, w), no interpolation path)
    labels = part_labels.reshape(ns, hw).astype(jnp.int32)
    ns_idx = jnp.arange(ns)[:, None, None]
    c_idx = jnp.arange(c)[None, :, None]
    lab = labels[:, None, :]
    # scatter_add_ over last dim with label_index expanded over channels
    pooled_sum = jnp.zeros((ns, c, P), dtype=feat.dtype).at[ns_idx, c_idx, lab].add(feat)
    # count per part
    pooled_count = jnp.zeros((ns, P), dtype=feat.dtype).at[jnp.arange(ns)[:, None], labels].add(1.0)
    pooled_count = pooled_count[:, None, :]
    # scatter_reduce_ amax with include_self=True and init -100.0
    pooled_max = jnp.full((ns, c, P), -100.0, dtype=feat.dtype).at[ns_idx, c_idx, lab].max(feat)
    valid_mask = pooled_count > 0
    pooled_mean = pooled_sum / jnp.maximum(pooled_count, 1.0)
    pooled_max = jnp.where(valid_mask, pooled_max, jnp.zeros_like(pooled_max))
    pooled = pooled_mean + pooled_max
    # rearrange '(n s) c p -> n c s p'
    return jnp.transpose(pooled.reshape(n, s, c, P), (0, 2, 1, 3))

if __name__ == "__main__":
    import jax
    _d = setup_inputs()
    print(jax.jit(kernel)(*tuple(_d.values())))

</pallas_src>

<mosaic_0001>
#map = affine_map<(d0, d1) -> (0, 0, 0)>
#map1 = affine_map<(d0, d1) -> (0, 0)>
#map2 = affine_map<(d0, d1) -> (0)>
module attributes {stable_mosaic.version = 14 : i64} {
  func.func @k(%arg0: i32, %arg1: i32, %arg2: memref<128x2048x128xf32, #tpu.memory_space<hbm>>, %arg3: memref<128x2048xi32, #tpu.memory_space<hbm>>, %arg4: memref<131072xf32, #tpu.memory_space<hbm>>, %arg5: memref<2048xi32, #tpu.memory_space<vmem>>, %arg6: memref<16528xi32, #tpu.memory_space<vmem>>, %arg7: memref<128x128xf32, #tpu.memory_space<vmem>>, %arg8: memref<128x128xf32, #tpu.memory_space<vmem>>, %arg9: memref<1024xf32, #tpu.memory_space<vmem>>, %arg10: memref<8xi32, #tpu.memory_space<smem>>, %arg11: memref<!tpu.dma_semaphore, #tpu.memory_space<semaphore_mem>>, %arg12: memref<!tpu.dma_semaphore, #tpu.memory_space<semaphore_mem>>, %arg13: memref<!tpu.dma_semaphore, #tpu.memory_space<semaphore_mem>>) attributes {dimension_semantics = [#tpu.dimension_semantics<core_parallel>, #tpu.dimension_semantics<subcore_parallel>], iteration_bounds = array<i64: 2, 16>, scalar_prefetch = 0 : i64, scratch_operands = 9 : i64, tpu.core_type = #tpu.core_type<sc_vector_subcore>, window_params = [{transform_indices = #map}, {transform_indices = #map1}, {transform_indices = #map2}]} {
    %mul3A = arith.constant 2 : i32
    %mul3A_0 = arith.muli %arg1, %mul3A : i32
    %add3A = arith.addi %mul3A_0, %arg0 : i32
    %iota3A = tpu.iota {dimensions = array<i32: 0>} : vector<16xi32>
    %add3A_1 = arith.constant 16512 : i32
    %add3A_2 = vector.broadcast %add3A_1 : i32 to vector<16xi32>
    %add3A_3 = arith.addi %add3A_2, %iota3A : vector<16xi32>
    %parallel_loop3A = arith.constant 0 : i32
    %parallel_loop3A_4 = arith.constant 1033 : i32
    %parallel_loop3A_5 = arith.constant 1 : i32
    scf.for %parallel_loop3A_12 = %parallel_loop3A to %parallel_loop3A_4 step %parallel_loop3A_5  : i32 {
      %parallel_loop3A_13 = arith.constant 0 : i32
      %parallel_loop3A_14 = vector.broadcast %parallel_loop3A_13 : i32 to vector<16xi32>
      %parallel_loop3A_15 = arith.constant 16 : i32
      %parallel_loop3A_16 = arith.muli %parallel_loop3A_12, %parallel_loop3A_15 : i32
      %parallel_loop3A_17 = arith.index_cast %parallel_loop3A_16 : i32 to index
      %parallel_loop3A_18 = tpu.vector_load %arg6[%parallel_loop3A_17] {strides = array<i32>} : memref<16528xi32, #tpu.memory_space<vmem>>, vector<16xi32>,
      tpu.vector_store %arg6[%parallel_loop3A_17], %parallel_loop3A_14 {strides = array<i32>} : memref<16528xi32, #tpu.memory_space<vmem>>, vector<16xi32>,
    } {sc.loop_unroll_factor = 4 : i64, sc.parallel_access}
    %scan3A = arith.constant 0 : i32
    %scan3A_6 = arith.constant 0 : i32
    %scan3A_7 = arith.constant 4 : i32
    %scan3A_8 = arith.addi %scan3A_6, %scan3A_7 : i32
    %scan3A_9 = arith.constant 1 : i32
    %scan3A_10 = scf.for %scan3A_12 = %scan3A_6 to %scan3A_8 step %scan3A_9 iter_args(%scan3A_13 = %scan3A) -> (i32)  : i32 {
      %mul3A_14 = arith.constant 4 : i32
      %mul3A_15 = arith.muli %add3A, %mul3A_14 : i32
      %add3A_16 = arith.addi %mul3A_15, %scan3A_12 : i32
      "tpu.region"() ({
        %run_scoped3A = tpu.sem_alloc : memref<!tpu.dma_semaphore, #tpu.memory_space<semaphore_mem>>
        %dma_start3A_122 = arith.constant 0 : i32
        %dma_start3A_123 = tpu.memref_slice %arg3[%add3A_16, %dma_start3A_122] : memref<128x2048xi32, #tpu.memory_space<hbm>> -> memref<1x2048xi32, #tpu.memory_space<hbm>>
        %dma_start3A_124 = tpu.memref_squeeze %dma_start3A_123 : memref<1x2048xi32, #tpu.memory_space<hbm>> -> memref<2048xi32, #tpu.memory_space<hbm>>
        %dma_start3A_125 = arith.constant 0 : i32
        %dma_start3A_126 = tpu.memref_slice %arg3[%add3A_16, %dma_start3A_125] : memref<128x2048xi32, #tpu.memory_space<hbm>> -> memref<1x2048xi32, #tpu.memory_space<hbm>>
        %dma_start3A_127 = tpu.memref_squeeze %dma_start3A_126 : memref<1x2048xi32, #tpu.memory_space<hbm>> -> memref<2048xi32, #tpu.memory_space<hbm>>
        tpu.enqueue_dma source(%dma_start3A_127 : memref<2048xi32, #tpu.memory_space<hbm>>) target(%arg5 : memref<2048xi32, #tpu.memory_space<vmem>>) target_semaphore(%run_scoped3A : memref<!tpu.dma_semaphore, #tpu.memory_space<semaphore_mem>>)
        %dma_wait3A_128 = arith.constant 0 : i32
        %dma_wait3A_129 = tpu.memref_slice %arg3[%add3A_16, %dma_wait3A_128] : memref<128x2048xi32, #tpu.memory_space<hbm>> -> memref<1x2048xi32, #tpu.memory_space<hbm>>
        %dma_wait3A_130 = tpu.memref_squeeze %dma_wait3A_129 : memref<1x2048xi32, #tpu.memory_space<hbm>> -> memref<2048xi32, #tpu.memory_space<hbm>>
        %dma_wait3A_131 = arith.constant 0 : i32
        %dma_wait3A_132 = tpu.memref_slice %arg3[%add3A_16, %dma_wait3A_131] : memref<128x2048xi32, #tpu.memory_space<hbm>> -> memref<1x2048xi32, #tpu.memory_space<hbm>>
        %dma_wait3A_133 = tpu.memref_squeeze %dma_wait3A_132 : memref<1x2048xi32, #tpu.memory_space<hbm>> -> memref<2048xi32, #tpu.memory_space<hbm>>
        tpu.wait_dma2 semaphore(%run_scoped3A : memref<!tpu.dma_semaphore, #tpu.memory_space<semaphore_mem>>) src(%dma_wait3A_133 : memref<2048xi32, #tpu.memory_space<hbm>>) dst(%arg5 : memref<2048xi32, #tpu.memory_space<vmem>>)
        tpu.yield
      }) : () -> ()
      %broadcast_in_dim3A = arith.constant 0 : i32
      %broadcast_in_dim3A_17 = vector.broadcast %broadcast_in_dim3A : i32 to vector<16xi32>
      %parallel_loop3A_18 = arith.constant 0 : i32
      %parallel_loop3A_19 = arith.constant 128 : i32
      %parallel_loop3A_20 = arith.constant 1 : i32
      %parallel_loop3A_21:8 = scf.for %parallel_loop3A_122 = %parallel_loop3A_18 to %parallel_loop3A_19 step %parallel_loop3A_20 iter_args(%parallel_loop3A_123 = %broadcast_in_dim3A_17, %parallel_loop3A_124 = %broadcast_in_dim3A_17, %parallel_loop3A_125 = %broadcast_in_dim3A_17, %parallel_loop3A_126 = %broadcast_in_dim3A_17, %parallel_loop3A_127 = %broadcast_in_dim3A_17, %parallel_loop3A_128 = %broadcast_in_dim3A_17, %parallel_loop3A_129 = %broadcast_in_dim3A_17, %parallel_loop3A_130 = %broadcast_in_dim3A_17) -> (vector<16xi32>, vector<16xi32>, vector<16xi32>, vector<16xi32>, vector<16xi32>, vector<16xi32>, vector<16xi32>, vector<16xi32>)  : i32 {
        %parallel_loop3A_131 = arith.constant 16 : i32
        %parallel_loop3A_132 = arith.muli %parallel_loop3A_122, %parallel_loop3A_131 : i32
        %parallel_loop3A_133 = arith.index_cast %parallel_loop3A_132 : i32 to index
        %parallel_loop3A_134 = tpu.vector_load %arg5[%parallel_loop3A_133] {strides = array<i32>} : memref<2048xi32, #tpu.memory_space<vmem>>, vector<16xi32>,
        %parallel_loop3A_135 = arith.constant 16 : i32
        %parallel_loop3A_136 = arith.muli %parallel_loop3A_122, %parallel_loop3A_135 : i32
        %parallel_loop3A_137 = vector.broadcast %parallel_loop3A_136 : i32 to vector<16xi32>
        %parallel_loop3A_138 = arith.addi %iota3A, %parallel_loop3A_137 : vector<16xi32>
        %parallel_loop3A_139 = arith.constant 0 : i32
        %parallel_loop3A_140 = vector.broadcast %parallel_loop3A_139 : i32 to vector<16xi32>
        %parallel_loop3A_141 = arith.cmpi eq, %parallel_loop3A_134, %parallel_loop3A_140 : vector<16xi32>
        %parallel_loop3A_142 = arith.extui %parallel_loop3A_141 : vector<16xi1> to vector<16xi32>
        %parallel_loop3A_143 = arith.constant true
        %parallel_loop3A_144 = vector.broadcast %parallel_loop3A_143 : i1 to vector<16xi1>
        %parallel_loop3A_145 = tpu.scan <sum>, %parallel_loop3A_142 masked %parallel_loop3A_144 : vector<16xi32>, vector<16xi1> -> vector<16xi32>
        %parallel_loop3A_146 = arith.constant 1 : i32
        %parallel_loop3A_147 = vector.broadcast %parallel_loop3A_146 : i32 to vector<16xi32>
        %parallel_loop3A_148 = arith.subi %parallel_loop3A_145, %parallel_loop3A_147 : vector<16xi32>
        %parallel_loop3A_149 = arith.constant 0 : i32
        %parallel_loop3A_150 = vector.broadcast %parallel_loop3A_149 : i32 to vector<16xi32>
        %parallel_loop3A_151 = arith.addi %parallel_loop3A_150, %parallel_loop3A_123 : vector<16xi32>
        %parallel_loop3A_152 = arith.addi %parallel_loop3A_151, %parallel_loop3A_148 : vector<16xi32>
        %parallel_loop3A_153 = arith.select %parallel_loop3A_141, %parallel_loop3A_152, %add3A_3 : vector<16xi1>, vector<16xi32>
        tpu.vector_store_idx %arg6[%parallel_loop3A_153], %parallel_loop3A_138 : memref<16528xi32, #tpu.memory_space<vmem>>[vector<16xi32>], vector<16xi32>,
        %parallel_loop3A_154 = tpu.all_reduce %parallel_loop3A_141 {dim = 0 : i64, kind = #tpu.reduction_kind<sum>} : vector<16xi1> -> vector<16xi32>
        %parallel_loop3A_155 = arith.addi %parallel_loop3A_123, %parallel_loop3A_154 : vector<16xi32>
        %parallel_loop3A_156 = arith.constant 1 : i32
        %parallel_loop3A_157 = vector.broadcast %parallel_loop3A_156 : i32 to vector<16xi32>
        %parallel_loop3A_158 = arith.cmpi eq, %parallel_loop3A_134, %parallel_loop3A_157 : vector<16xi32>
        %parallel_loop3A_159 = arith.extui %parallel_loop3A_158 : vector<16xi1> to vector<16xi32>
        %parallel_loop3A_160 = arith.constant true
        %parallel_loop3A_161 = vector.broadcast %parallel_loop3A_160 : i1 to vector<16xi1>
        %parallel_loop3A_162 = tpu.scan <sum>, %parallel_loop3A_159 masked %parallel_loop3A_161 : vector<16xi32>, vector<16xi1> -> vector<16xi32>
        %parallel_loop3A_163 = arith.constant 1 : i32
        %parallel_loop3A_164 = vector.broadcast %parallel_loop3A_163 : i32 to vector<16xi32>
        %parallel_loop3A_165 = arith.subi %parallel_loop3A_162, %parallel_loop3A_164 : vector<16xi32>
        %parallel_loop3A_166 = arith.constant 2064 : i32
        %parallel_loop3A_167 = vector.broadcast %parallel_loop3A_166 : i32 to vector<16xi32>
        %parallel_loop3A_168 = arith.addi %parallel_loop3A_167, %parallel_loop3A_124 : vector<16xi32>
        %parallel_loop3A_169 = arith.addi %parallel_loop3A_168, %parallel_loop3A_165 : vector<16xi32>
        %parallel_loop3A_170 = arith.select %parallel_loop3A_158, %parallel_loop3A_169, %add3A_3 : vector<16xi1>, vector<16xi32>
        tpu.vector_store_idx %arg6[%parallel_loop3A_170], %parallel_loop3A_138 : memref<16528xi32, #tpu.memory_space<vmem>>[vector<16xi32>], vector<16xi32>,
        %parallel_loop3A_171 = tpu.all_reduce %parallel_loop3A_158 {dim = 0 : i64, kind = #tpu.reduction_kind<sum>} : vector<16xi1> -> vector<16xi32>
        %parallel_loop3A_172 = arith.addi %parallel_loop3A_124, %parallel_loop3A_171 : vector<16xi32>
        %parallel_loop3A_173 = arith.constant 2 : i32
        %parallel_loop3A_174 = vector.broadcast %parallel_loop3A_173 : i32 to vector<16xi32>
        %parallel_loop3A_175 = arith.cmpi eq, %parallel_loop3A_134, %parallel_loop3A_174 : vector<16xi32>
        %parallel_loop3A_176 = arith.extui %parallel_loop3A_175 : vector<16xi1> to vector<16xi32>
        %parallel_loop3A_177 = arith.constant true
        %parallel_loop3A_178 = vector.broadcast %parallel_loop3A_177 : i1 to vector<16xi1>
        %parallel_loop3A_179 = tpu.scan <sum>, %parallel_loop3A_176 masked %parallel_loop3A_178 : vector<16xi32>, vector<16xi1> -> vector<16xi32>
        %parallel_loop3A_180 = arith.constant 1 : i32
        %parallel_loop3A_181 = vector.broadcast %parallel_loop3A_180 : i32 to vector<16xi32>
        %parallel_loop3A_182 = arith.subi %parallel_loop3A_179, %parallel_loop3A_181 : vector<16xi32>
        %parallel_loop3A_183 = arith.constant 4128 : i32
        %parallel_loop3A_184 = vector.broadcast %parallel_loop3A_183 : i32 to vector<16xi32>
        %parallel_loop3A_185 = arith.addi %parallel_loop3A_184, %parallel_loop3A_125 : vector<16xi32>
        %parallel_loop3A_186 = arith.addi %parallel_loop3A_185, %parallel_loop3A_182 : vector<16xi32>
        %parallel_loop3A_187 = arith.select %parallel_loop3A_175, %parallel_loop3A_186, %add3A_3 : vector<16xi1>, vector<16xi32>
        tpu.vector_store_idx %arg6[%parallel_loop3A_187], %parallel_loop3A_138 : memref<16528xi32, #tpu.memory_space<vmem>>[vector<16xi32>], vector<16xi32>,
        %parallel_loop3A_188 = tpu.all_reduce %parallel_loop3A_175 {dim = 0 : i64, kind = #tpu.reduction_kind<sum>} : vector<16xi1> -> vector<16xi32>
        %parallel_loop3A_189 = arith.addi %parallel_loop3A_125, %parallel_loop3A_188 : vector<16xi32>
        %parallel_loop3A_190 = arith.constant 3 : i32
        %parallel_loop3A_191 = vector.broadcast %parallel_loop3A_190 : i32 to vector<16xi32>
        %parallel_loop3A_192 = arith.cmpi eq, %parallel_loop3A_134, %parallel_loop3A_191 : vector<16xi32>
        %parallel_loop3A_193 = arith.extui %parallel_loop3A_192 : vector<16xi1> to vector<16xi32>
        %parallel_loop3A_194 = arith.constant true
        %parallel_loop3A_195 = vector.broadcast %parallel_loop3A_194 : i1 to vector<16xi1>
        %parallel_loop3A_196 = tpu.scan <sum>, %parallel_loop3A_193 masked %parallel_loop3A_195 : vector<16xi32>, vector<16xi1> -> vector<16xi32>
        %parallel_loop3A_197 = arith.constant 1 : i32
        %parallel_loop3A_198 = vector.broadcast %parallel_loop3A_197 : i32 to vector<16xi32>
        %parallel_loop3A_199 = arith.subi %parallel_loop3A_196, %parallel_loop3A_198 : vector<16xi32>
        %parallel_loop3A_200 = arith.constant 6192 : i32
        %parallel_loop3A_201 = vector.broadcast %parallel_loop3A_200 : i32 to vector<16xi32>
        %parallel_loop3A_202 = arith.addi %parallel_loop3A_201, %parallel_loop3A_126 : vector<16xi32>
        %parallel_loop3A_203 = arith.addi %parallel_loop3A_202, %parallel_loop3A_199 : vector<16xi32>
        %parallel_loop3A_204 = arith.select %parallel_loop3A_192, %parallel_loop3A_203, %add3A_3 : vector<16xi1>, vector<16xi32>
        tpu.vector_store_idx %arg6[%parallel_loop3A_204], %parallel_loop3A_138 : memref<16528xi32, #tpu.memory_space<vmem>>[vector<16xi32>], vector<16xi32>,
        %parallel_loop3A_205 = tpu.all_reduce %parallel_loop3A_192 {dim = 0 : i64, kind = #tpu.reduction_kind<sum>} : vector<16xi1> -> vector<16xi32>
        %parallel_loop3A_206 = arith.addi %parallel_loop3A_126, %parallel_loop3A_205 : vector<16xi32>
        %parallel_loop3A_207 = arith.constant 4 : i32
        %parallel_loop3A_208 = vector.broadcast %parallel_loop3A_207 : i32 to vector<16xi32>
        %parallel_loop3A_209 = arith.cmpi eq, %parallel_loop3A_134, %parallel_loop3A_208 : vector<16xi32>
        %parallel_loop3A_210 = arith.extui %parallel_loop3A_209 : vector<16xi1> to vector<16xi32>
        %parallel_loop3A_211 = arith.constant true
        %parallel_loop3A_212 = vector.broadcast %parallel_loop3A_211 : i1 to vector<16xi1>
        %parallel_loop3A_213 = tpu.scan <sum>, %parallel_loop3A_210 masked %parallel_loop3A_212 : vector<16xi32>, vector<16xi1> -> vector<16xi32>
        %parallel_loop3A_214 = arith.constant 1 : i32
        %parallel_loop3A_215 = vector.broadcast %parallel_loop3A_214 : i32 to vector<16xi32>
        %parallel_loop3A_216 = arith.subi %parallel_loop3A_213, %parallel_loop3A_215 : vector<16xi32>
        %parallel_loop3A_217 = arith.constant 8256 : i32
        %parallel_loop3A_218 = vector.broadcast %parallel_loop3A_217 : i32 to vector<16xi32>
        %parallel_loop3A_219 = arith.addi %parallel_loop3A_218, %parallel_loop3A_127 : vector<16xi32>
        %parallel_loop3A_220 = arith.addi %parallel_loop3A_219, %parallel_loop3A_216 : vector<16xi32>
        %parallel_loop3A_221 = arith.select %parallel_loop3A_209, %parallel_loop3A_220, %add3A_3 : vector<16xi1>, vector<16xi32>
        tpu.vector_store_idx %arg6[%parallel_loop3A_221], %parallel_loop3A_138 : memref<16528xi32, #tpu.memory_space<vmem>>[vector<16xi32>], vector<16xi32>,
        %parallel_loop3A_222 = tpu.all_reduce %parallel_loop3A_209 {dim = 0 : i64, kind = #tpu.reduction_kind<sum>} : vector<16xi1> -> vector<16xi32>
        %parallel_loop3A_223 = arith.addi %parallel_loop3A_127, %parallel_loop3A_222 : vector<16xi32>
        %parallel_loop3A_224 = arith.constant 5 : i32
        %parallel_loop3A_225 = vector.broadcast %parallel_loop3A_224 : i32 to vector<16xi32>
        %parallel_loop3A_226 = arith.cmpi eq, %parallel_loop3A_134, %parallel_loop3A_225 : vector<16xi32>
        %parallel_loop3A_227 = arith.extui %parallel_loop3A_226 : vector<16xi1> to vector<16xi32>
        %parallel_loop3A_228 = arith.constant true
        %parallel_loop3A_229 = vector.broadcast %parallel_loop3A_228 : i1 to vector<16xi1>
        %parallel_loop3A_230 = tpu.scan <sum>, %parallel_loop3A_227 masked %parallel_loop3A_229 : vector<16xi32>, vector<16xi1> -> vector<16xi32>
        %parallel_loop3A_231 = arith.constant 1 : i32
        %parallel_loop3A_232 = vector.broadcast %parallel_loop3A_231 : i32 to vector<16xi32>
        %parallel_loop3A_233 = arith.subi %parallel_loop3A_230, %parallel_loop3A_232 : vector<16xi32>
        %parallel_loop3A_234 = arith.constant 10320 : i32
        %parallel_loop3A_235 = vector.broadcast %parallel_loop3A_234 : i32 to vector<16xi32>
        %parallel_loop3A_236 = arith.addi %parallel_loop3A_235, %parallel_loop3A_128 : vector<16xi32>
        %parallel_loop3A_237 = arith.addi %parallel_loop3A_236, %parallel_loop3A_233 : vector<16xi32>
        %parallel_loop3A_238 = arith.select %parallel_loop3A_226, %parallel_loop3A_237, %add3A_3 : vector<16xi1>, vector<16xi32>
        tpu.vector_store_idx %arg6[%parallel_loop3A_238], %parallel_loop3A_138 : memref<16528xi32, #tpu.memory_space<vmem>>[vector<16xi32>], vector<16xi32>,
        %parallel_loop3A_239 = tpu.all_reduce %parallel_loop3A_226 {dim = 0 : i64, kind = #tpu.reduction_kind<sum>} : vector<16xi1> -> vector<16xi32>
        %parallel_loop3A_240 = arith.addi %parallel_loop3A_128, %parallel_loop3A_239 : vector<16xi32>
        %parallel_loop3A_241 = arith.constant 6 : i32
        %parallel_loop3A_242 = vector.broadcast %parallel_loop3A_241 : i32 to vector<16xi32>
        %parallel_loop3A_243 = arith.cmpi eq, %parallel_loop3A_134, %parallel_loop3A_242 : vector<16xi32>
        %parallel_loop3A_244 = arith.extui %parallel_loop3A_243 : vector<16xi1> to vector<16xi32>
        %parallel_loop3A_245 = arith.constant true
        %parallel_loop3A_246 = vector.broadcast %parallel_loop3A_245 : i1 to vector<16xi1>
        %parallel_loop3A_247 = tpu.scan <sum>, %parallel_loop3A_244 masked %parallel_loop3A_246 : vector<16xi32>, vector<16xi1> -> vector<16xi32>
        %parallel_loop3A_248 = arith.constant 1 : i32
        %parallel_loop3A_249 = vector.broadcast %parallel_loop3A_248 : i32 to vector<16xi32>
        %parallel_loop3A_250 = arith.subi %parallel_loop3A_247, %parallel_loop3A_249 : vector<16xi32>
        %parallel_loop3A_251 = arith.constant 12384 : i32
        %parallel_loop3A_252 = vector.broadcast %parallel_loop3A_251 : i32 to vector<16xi32>
        %parallel_loop3A_253 = arith.addi %parallel_loop3A_252, %parallel_loop3A_129 : vector<16xi32>
        %parallel_loop3A_254 = arith.addi %parallel_loop3A_253, %parallel_loop3A_250 : vector<16xi32>
        %parallel_loop3A_255 = arith.select %parallel_loop3A_243, %parallel_loop3A_254, %add3A_3 : vector<16xi1>, vector<16xi32>
        tpu.vector_store_idx %arg6[%parallel_loop3A_255], %parallel_loop3A_138 : memref<16528xi32, #tpu.memory_space<vmem>>[vector<16xi32>], vector<16xi32>,
        %parallel_loop3A_256 = tpu.all_reduce %parallel_loop3A_243 {dim = 0 : i64, kind = #tpu.reduction_kind<sum>} : vector<16xi1> -> vector<16xi32>
        %parallel_loop3A_257 = arith.addi %parallel_loop3A_129, %parallel_loop3A_256 : vector<16xi32>
        %parallel_loop3A_258 = arith.constant 7 : i32
        %parallel_loop3A_259 = vector.broadcast %parallel_loop3A_258 : i32 to vector<16xi32>
        %parallel_loop3A_260 = arith.cmpi eq, %parallel_loop3A_134, %parallel_loop3A_259 : vector<16xi32>
        %parallel_loop3A_261 = arith.extui %parallel_loop3A_260 : vector<16xi1> to vector<16xi32>
        %parallel_loop3A_262 = arith.constant true
        %parallel_loop3A_263 = vector.broadcast %parallel_loop3A_262 : i1 to vector<16xi1>
        %parallel_loop3A_264 = tpu.scan <sum>, %parallel_loop3A_261 masked %parallel_loop3A_263 : vector<16xi32>, vector<16xi1> -> vector<16xi32>
        %parallel_loop3A_265 = arith.constant 1 : i32
        %parallel_loop3A_266 = vector.broadcast %parallel_loop3A_265 : i32 to vector<16xi32>
        %parallel_loop3A_267 = arith.subi %parallel_loop3A_264, %parallel_loop3A_266 : vector<16xi32>
        %parallel_loop3A_268 = arith.constant 14448 : i32
        %parallel_loop3A_269 = vector.broadcast %parallel_loop3A_268 : i32 to vector<16xi32>
        %parallel_loop3A_270 = arith.addi %parallel_loop3A_269, %parallel_loop3A_130 : vector<16xi32>
        %parallel_loop3A_271 = arith.addi %parallel_loop3A_270, %parallel_loop3A_267 : vector<16xi32>
        %parallel_loop3A_272 = arith.select %parallel_loop3A_260, %parallel_loop3A_271, %add3A_3 : vector<16xi1>, vector<16xi32>
        tpu.vector_store_idx %arg6[%parallel_loop3A_272], %parallel_loop3A_138 : memref<16528xi32, #tpu.memory_space<vmem>>[vector<16xi32>], vector<16xi32>,
        %parallel_loop3A_273 = tpu.all_reduce %parallel_loop3A_260 {dim = 0 : i64, kind = #tpu.reduction_kind<sum>} : vector<16xi1> -> vector<16xi32>
        %parallel_loop3A_274 = arith.addi %parallel_loop3A_130, %parallel_loop3A_273 : vector<16xi32>
        scf.yield %parallel_loop3A_155, %parallel_loop3A_172, %parallel_loop3A_189, %parallel_loop3A_206, %parallel_loop3A_223, %parallel_loop3A_240, %parallel_loop3A_257, %parallel_loop3A_274 : vector<16xi32>, vector<16xi32>, vector<16xi32>, vector<16xi32>, vector<16xi32>, vector<16xi32>, vector<16xi32>, vector<16xi32>
      } {sc.loop_unroll_factor = 2 : i64, sc.parallel_access}
      %reduce_max3A = arith.constant true
      %reduce_max3A_22 = vector.broadcast %reduce_max3A : i1 to vector<16xi1>
      %reduce_max3A_23 = arith.constant -2147483648 : i32
      %reduce_max3A_24 = vector.broadcast %reduce_max3A_23 : i32 to vector<16xi32>
      %reduce_max3A_25 = arith.xori %parallel_loop3A_21#0, %reduce_max3A_24 : vector<16xi32>
      %reduce_max3A_26 = tpu.scan <max>, %reduce_max3A_25 masked %reduce_max3A_22 : vector<16xi32>, vector<16xi1> -> vector<16xi32>
      %reduce_max3A_27 = arith.xori %reduce_max3A_26, %reduce_max3A_24 : vector<16xi32>
      %reduce_max3A_28 = vector.extract %reduce_max3A_27[15] : i32 from vector<16xi32>
      %swap3A = arith.constant 0 : i32
      %swap3A_29 = arith.index_cast %swap3A : i32 to index
      %swap3A_30 = memref.load %arg10[%swap3A_29] : memref<8xi32, #tpu.memory_space<smem>>
      memref.store %reduce_max3A_28, %arg10[%swap3A_29] : memref<8xi32, #tpu.memory_space<smem>>
      %reduce_max3A_31 = arith.constant true
      %reduce_max3A_32 = vector.broadcast %reduce_max3A_31 : i1 to vector<16xi1>
      %reduce_max3A_33 = arith.constant -2147483648 : i32
      %reduce_max3A_34 = vector.broadcast %reduce_max3A_33 : i32 to vector<16xi32>
      %reduce_max3A_35 = arith.xori %parallel_loop3A_21#1, %reduce_max3A_34 : vector<16xi32>
      %reduce_max3A_36 = tpu.scan <max>, %reduce_max3A_35 masked %reduce_max3A_32 : vector<16xi32>, vector<16xi1> -> vector<16xi32>
      %reduce_max3A_37 = arith.xori %reduce_max3A_36, %reduce_max3A_34 : vector<16xi32>
      %reduce_max3A_38 = vector.extract %reduce_max3A_37[15] : i32 from vector<16xi32>
      %swap3A_39 = arith.constant 1 : i32
      %swap3A_40 = arith.index_cast %swap3A_39 : i32 to index
      %swap3A_41 = memref.load %arg10[%swap3A_40] : memref<8xi32, #tpu.memory_space<smem>>
      memref.store %reduce_max3A_38, %arg10[%swap3A_40] : memref<8xi32, #tpu.memory_space<smem>>
      %reduce_max3A_42 = arith.constant true
      %reduce_max3A_43 = vector.broadcast %reduce_max3A_42 : i1 to vector<16xi1>
      %reduce_max3A_44 = arith.constant -2147483648 : i32
      %reduce_max3A_45 = vector.broadcast %reduce_max3A_44 : i32 to vector<16xi32>
      %reduce_max3A_46 = arith.xori %parallel_loop3A_21#2, %reduce_max3A_45 : vector<16xi32>
      %reduce_max3A_47 = tpu.scan <max>, %reduce_max3A_46 masked %reduce_max3A_43 : vector<16xi32>, vector<16xi1> -> vector<16xi32>
      %reduce_max3A_48 = arith.xori %reduce_max3A_47, %reduce_max3A_45 : vector<16xi32>
      %reduce_max3A_49 = vector.extract %reduce_max3A_48[15] : i32 from vector<16xi32>
      %swap3A_50 = arith.constant 2 : i32
      %swap3A_51 = arith.index_cast %swap3A_50 : i32 to index
      %swap3A_52 = memref.load %arg10[%swap3A_51] : memref<8xi32, #tpu.memory_space<smem>>
      memref.store %reduce_max3A_49, %arg10[%swap3A_51] : memref<8xi32, #tpu.memory_space<smem>>
      %reduce_max3A_53 = arith.constant true
      %reduce_max3A_54 = vector.broadcast %reduce_max3A_53 : i1 to vector<16xi1>
      %reduce_max3A_55 = arith.constant -2147483648 : i32
      %reduce_max3A_56 = vector.broadcast %reduce_max3A_55 : i32 to vector<16xi32>
      %reduce_max3A_57 = arith.xori %parallel_loop3A_21#3, %reduce_max3A_56 : vector<16xi32>
      %reduce_max3A_58 = tpu.scan <max>, %reduce_max3A_57 masked %reduce_max3A_54 : vector<16xi32>, vector<16xi1> -> vector<16xi32>
      %reduce_max3A_59 = arith.xori %reduce_max3A_58, %reduce_max3A_56 : vector<16xi32>
      %reduce_max3A_60 = vector.extract %reduce_max3A_59[15] : i32 from vector<16xi32>
      %swap3A_61 = arith.constant 3 : i32
      %swap3A_62 = arith.index_cast %swap3A_61 : i32 to index
      %swap3A_63 = memref.load %arg10[%swap3A_62] : memref<8xi32, #tpu.memory_space<smem>>
      memref.store %reduce_max3A_60, %arg10[%swap3A_62] : memref<8xi32, #tpu.memory_space<smem>>
      %reduce_max3A_64 = arith.constant true
      %reduce_max3A_65 = vector.broadcast %reduce_max3A_64 : i1 to vector<16xi1>
      %reduce_max3A_66 = arith.constant -2147483648 : i32
      %reduce_max3A_67 = vector.broadcast %reduce_max3A_66 : i32 to vector<16xi32>
      %reduce_max3A_68 = arith.xori %parallel_loop3A_21#4, %reduce_max3A_67 : vector<16xi32>
      %reduce_max3A_69 = tpu.scan <max>, %reduce_max3A_68 masked %reduce_max3A_65 : vector<16xi32>, vector<16xi1> -> vector<16xi32>
      %reduce_max3A_70 = arith.xori %reduce_max3A_69, %reduce_max3A_67 : vector<16xi32>
      %reduce_max3A_71 = vector.extract %reduce_max3A_70[15] : i32 from vector<16xi32>
      %swap3A_72 = arith.constant 4 : i32
      %swap3A_73 = arith.index_cast %swap3A_72 : i32 to index
      %swap3A_74 = memref.load %arg10[%swap3A_73] : memref<8xi32, #tpu.memory_space<smem>>
      memref.store %reduce_max3A_71, %arg10[%swap3A_73] : memref<8xi32, #tpu.memory_space<smem>>
      %reduce_max3A_75 = arith.constant true
      %reduce_max3A_76 = vector.broadcast %reduce_max3A_75 : i1 to vector<16xi1>
      %reduce_max3A_77 = arith.constant -2147483648 : i32
      %reduce_max3A_78 = vector.broadcast %reduce_max3A_77 : i32 to vector<16xi32>
      %reduce_max3A_79 = arith.xori %parallel_loop3A_21#5, %reduce_max3A_78 : vector<16xi32>
      %reduce_max3A_80 = tpu.scan <max>, %reduce_max3A_79 masked %reduce_max3A_76 : vector<16xi32>, vector<16xi1> -> vector<16xi32>
      %reduce_max3A_81 = arith.xori %reduce_max3A_80, %reduce_max3A_78 : vector<16xi32>
      %reduce_max3A_82 = vector.extract %reduce_max3A_81[15] : i32 from vector<16xi32>
      %swap3A_83 = arith.constant 5 : i32
      %swap3A_84 = arith.index_cast %swap3A_83 : i32 to index
      %swap3A_85 = memref.load %arg10[%swap3A_84] : memref<8xi32, #tpu.memory_space<smem>>
      memref.store %reduce_max3A_82, %arg10[%swap3A_84] : memref<8xi32, #tpu.memory_space<smem>>
      %reduce_max3A_86 = arith.constant true
      %reduce_max3A_87 = vector.broadcast %reduce_max3A_86 : i1 to vector<16xi1>
      %reduce_max3A_88 = arith.constant -2147483648 : i32
      %reduce_max3A_89 = vector.broadcast %reduce_max3A_88 : i32 to vector<16xi32>
      %reduce_max3A_90 = arith.xori %parallel_loop3A_21#6, %reduce_max3A_89 : vector<16xi32>
      %reduce_max3A_91 = tpu.scan <max>, %reduce_max3A_90 masked %reduce_max3A_87 : vector<16xi32>, vector<16xi1> -> vector<16xi32>
      %reduce_max3A_92 = arith.xori %reduce_max3A_91, %reduce_max3A_89 : vector<16xi32>
      %reduce_max3A_93 = vector.extract %reduce_max3A_92[15] : i32 from vector<16xi32>
      %swap3A_94 = arith.constant 6 : i32
      %swap3A_95 = arith.index_cast %swap3A_94 : i32 to index
      %swap3A_96 = memref.load %arg10[%swap3A_95] : memref<8xi32, #tpu.memory_space<smem>>
      memref.store %reduce_max3A_93, %arg10[%swap3A_95] : memref<8xi32, #tpu.memory_space<smem>>
      %reduce_max3A_97 = arith.constant true
      %reduce_max3A_98 = vector.broadcast %reduce_max3A_97 : i1 to vector<16xi1>
      %reduce_max3A_99 = arith.constant -2147483648 : i32
      %reduce_max3A_100 = vector.broadcast %reduce_max3A_99 : i32 to vector<16xi32>
      %reduce_max3A_101 = arith.xori %parallel_loop3A_21#7, %reduce_max3A_100 : vector<16xi32>
      %reduce_max3A_102 = tpu.scan <max>, %reduce_max3A_101 masked %reduce_max3A_98 : vector<16xi32>, vector<16xi1> -> vector<16xi32>
      %reduce_max3A_103 = arith.xori %reduce_max3A_102, %reduce_max3A_100 : vector<16xi32>
      %reduce_max3A_104 = vector.extract %reduce_max3A_103[15] : i32 from vector<16xi32>
      %swap3A_105 = arith.constant 7 : i32
      %swap3A_106 = arith.index_cast %swap3A_105 : i32 to index
      %swap3A_107 = memref.load %arg10[%swap3A_106] : memref<8xi32, #tpu.memory_space<smem>>
      memref.store %reduce_max3A_104, %arg10[%swap3A_106] : memref<8xi32, #tpu.memory_space<smem>>
      %scan3A_108 = arith.constant 0 : i32
      %scan3A_109 = arith.constant 0 : i32
      %scan3A_110 = arith.constant 8 : i32
      %scan3A_111 = arith.addi %scan3A_109, %scan3A_110 : i32
      %scan3A_112 = arith.constant 1 : i32
      %scan3A_113 = scf.for %scan3A_122 = %scan3A_109 to %scan3A_111 step %scan3A_112 iter_args(%scan3A_123 = %scan3A_108) -> (i32)  : i32 {
        %get3A = arith.index_cast %scan3A_122 : i32 to index
        %get3A_124 = memref.load %arg10[%get3A] : memref<8xi32, #tpu.memory_space<smem>>
        %add3A_125 = arith.constant 127 : i32
        %add3A_126 = arith.addi %get3A_124, %add3A_125 : i32
        %jit3A = arith.constant 128 : i32
        %div3A = arith.divsi %add3A_126, %jit3A : i32
        %sign3A = arith.constant 0 : i32
        %sign3A_127 = arith.cmpi sgt, %add3A_126, %sign3A : i32
        %sign3A_128 = arith.extui %sign3A_127 : i1 to i32
        %sign3A_129 = arith.constant 0 : i32
        %sign3A_130 = arith.cmpi slt, %add3A_126, %sign3A_129 : i32
        %sign3A_131 = arith.extui %sign3A_130 : i1 to i32
        %sign3A_132 = arith.subi %sign3A_128, %sign3A_131 : i32
        %sign3A_133 = arith.constant 0 : i32
        %sign3A_134 = arith.cmpi sgt, %jit3A, %sign3A_133 : i32
        %sign3A_135 = arith.extui %sign3A_134 : i1 to i32
        %sign3A_136 = arith.constant 0 : i32
        %sign3A_137 = arith.cmpi slt, %jit3A, %sign3A_136 : i32
        %sign3A_138 = arith.extui %sign3A_137 : i1 to i32
        %sign3A_139 = arith.subi %sign3A_135, %sign3A_138 : i32
        %ne3A = arith.cmpi ne, %sign3A_132, %sign3A_139 : i32
        %rem3A = arith.remsi %add3A_126, %jit3A : i32
        %ne3A_140 = arith.constant 0 : i32
        %ne3A_141 = arith.cmpi ne, %rem3A, %ne3A_140 : i32
        %and3A = arith.andi %ne3A, %ne3A_141 : i1
        %sub3A = arith.constant 1 : i32
        %sub3A_142 = arith.subi %div3A, %sub3A : i32
        %select_n3A = arith.select %and3A, %sub3A_142, %div3A : i32
        %ge3A = arith.constant 1 : i32
        %ge3A_143 = arith.cmpi sge, %select_n3A, %ge3A : i32
        %convert_element_type3A = arith.extui %ge3A_143 : i1 to i32
        %cond3A = arith.constant 0 : i32
        %cond3A_144 = arith.cmpi ne, %convert_element_type3A, %cond3A : i32
        scf.if %cond3A_144 {
        } else {
        }
        %ge3A_145 = arith.constant 2 : i32
        %ge3A_146 = arith.cmpi sge, %select_n3A, %ge3A_145 : i32
        %convert_element_type3A_147 = arith.extui %ge3A_146 : i1 to i32
        %cond3A_148 = arith.constant 0 : i32
        %cond3A_149 = arith.cmpi ne, %convert_element_type3A_147, %cond3A_148 : i32
        scf.if %cond3A_149 {
        } else {
        }
        %broadcast_in_dim3A_150 = arith.constant 0.000000e+00 : f32
        %broadcast_in_dim3A_151 = vector.broadcast %broadcast_in_dim3A_150 : f32 to vector<16xf32>
        %broadcast_in_dim3A_152 = arith.constant -1.000000e+02 : f32
        %broadcast_in_dim3A_153 = vector.broadcast %broadcast_in_dim3A_152 : f32 to vector<16xf32>
        %jit3A_154 = arith.constant 2 : i32
        %div3A_155 = arith.divsi %select_n3A, %jit3A_154 : i32
        %sign3A_156 = arith.constant 0 : i32
        %sign3A_157 = arith.cmpi sgt, %select_n3A, %sign3A_156 : i32
        %sign3A_158 = arith.extui %sign3A_157 : i1 to i32
        %sign3A_159 = arith.constant 0 : i32
        %sign3A_160 = arith.cmpi slt, %select_n3A, %sign3A_159 : i32
        %sign3A_161 = arith.extui %sign3A_160 : i1 to i32
        %sign3A_162 = arith.subi %sign3A_158, %sign3A_161 : i32
        %sign3A_163 = arith.constant 0 : i32
        %sign3A_164 = arith.cmpi sgt, %jit3A_154, %sign3A_163 : i32
        %sign3A_165 = arith.extui %sign3A_164 : i1 to i32
        %sign3A_166 = arith.constant 0 : i32
        %sign3A_167 = arith.cmpi slt, %jit3A_154, %sign3A_166 : i32
        %sign3A_168 = arith.extui %sign3A_167 : i1 to i32
        %sign3A_169 = arith.subi %sign3A_165, %sign3A_168 : i32
        %ne3A_170 = arith.cmpi ne, %sign3A_162, %sign3A_169 : i32
        %rem3A_171 = arith.remsi %select_n3A, %jit3A_154 : i32
        %ne3A_172 = arith.constant 0 : i32
        %ne3A_173 = arith.cmpi ne, %rem3A_171, %ne3A_172 : i32
        %and3A_174 = arith.andi %ne3A_170, %ne3A_173 : i1
        %sub3A_175 = arith.constant 1 : i32
        %sub3A_176 = arith.subi %div3A_155, %sub3A_175 : i32
        %select_n3A_177 = arith.select %and3A_174, %sub3A_176, %div3A_155 : i32
        %while3A = arith.constant 0 : i32
        %while3A_178 = arith.subi %select_n3A_177, %while3A : i32
        %while3A_179 = arith.addi %while3A, %while3A_178 : i32
        %while3A_180 = arith.constant 1 : i32
        %while3A_181 = arith.divsi %while3A_178, %while3A_180 : i32
        %while3A_182 = arith.muli %while3A_181, %while3A_180 : i32
        %while3A_183 = arith.addi %while3A, %while3A_182 : i32
        %while3A_184 = arith.constant 1 : i32
        %while3A_185:16 = scf.for %while3A_290 = %while3A to %while3A_183 step %while3A_184 iter_args(%while3A_291 = %broadcast_in_dim3A_151, %while3A_292 = %broadcast_in_dim3A_151, %while3A_293 = %broadcast_in_dim3A_151, %while3A_294 = %broadcast_in_dim3A_151, %while3A_295 = %broadcast_in_dim3A_151, %while3A_296 = %broadcast_in_dim3A_151, %while3A_297 = %broadcast_in_dim3A_151, %while3A_298 = %broadcast_in_dim3A_151, %while3A_299 = %broadcast_in_dim3A_153, %while3A_300 = %broadcast_in_dim3A_153, %while3A_301 = %broadcast_in_dim3A_153, %while3A_302 = %broadcast_in_dim3A_153, %while3A_303 = %broadcast_in_dim3A_153, %while3A_304 = %broadcast_in_dim3A_153, %while3A_305 = %broadcast_in_dim3A_153, %while3A_306 = %broadcast_in_dim3A_153) -> (vector<16xf32>, vector<16xf32>, vector<16xf32>, vector<16xf32>, vector<16xf32>, vector<16xf32>, vector<16xf32>, vector<16xf32>, vector<16xf32>, vector<16xf32>, vector<16xf32>, vector<16xf32>, vector<16xf32>, vector<16xf32>, vector<16xf32>, vector<16xf32>)  : i32 {
          %mul3A_307 = arith.constant 2 : i32
          %mul3A_308 = arith.muli %while3A_290, %mul3A_307 : i32
          %add3A_309 = arith.constant 2 : i32
          %add3A_310 = arith.addi %mul3A_308, %add3A_309 : i32
          %lt3A = arith.cmpi slt, %add3A_310, %select_n3A : i32
          %convert_element_type3A_311 = arith.extui %lt3A : i1 to i32
          %cond3A_312 = arith.constant 0 : i32
          %cond3A_313 = arith.cmpi ne, %convert_element_type3A_311, %cond3A_312 : i32
          scf.if %cond3A_313 {
            %add3A_339 = arith.constant 2 : i32
            %add3A_340 = arith.addi %mul3A_308, %add3A_339 : i32
          } else {
          }
          %mul3A_314 = arith.constant 128 : i32
          %mul3A_315 = arith.muli %mul3A_308, %mul3A_314 : i32
          %sub3A_316 = arith.subi %get3A_124, %mul3A_315 : i32
          %min3A = arith.constant 128 : i32
          %min3A_317 = arith.minsi %sub3A_316, %min3A : i32
          %parallel_loop3A_318 = arith.constant 0 : i32
          %parallel_loop3A_319 = arith.constant 1 : i32
          %parallel_loop3A_320:16 = scf.for %parallel_loop3A_339 = %parallel_loop3A_318 to %min3A_317 step %parallel_loop3A_319 iter_args(%parallel_loop3A_340 = %while3A_291, %parallel_loop3A_341 = %while3A_292, %parallel_loop3A_342 = %while3A_293, %parallel_loop3A_343 = %while3A_294, %parallel_loop3A_344 = %while3A_295, %parallel_loop3A_345 = %while3A_296, %parallel_loop3A_346 = %while3A_297, %parallel_loop3A_347 = %while3A_298, %parallel_loop3A_348 = %while3A_299, %parallel_loop3A_349 = %while3A_300, %parallel_loop3A_350 = %while3A_301, %parallel_loop3A_351 = %while3A_302, %parallel_loop3A_352 = %while3A_303, %parallel_loop3A_353 = %while3A_304, %parallel_loop3A_354 = %while3A_305, %parallel_loop3A_355 = %while3A_306) -> (vector<16xf32>, vector<16xf32>, vector<16xf32>, vector<16xf32>, vector<16xf32>, vector<16xf32>, vector<16xf32>, vector<16xf32>, vector<16xf32>, vector<16xf32>, vector<16xf32>, vector<16xf32>, vector<16xf32>, vector<16xf32>, vector<16xf32>, vector<16xf32>)  : i32 {
            %parallel_loop3A_356 = arith.index_cast %parallel_loop3A_339 : i32 to index
            %parallel_loop3A_357 = arith.constant 0 : index
            %parallel_loop3A_358 = tpu.vector_load %arg7[%parallel_loop3A_356, %parallel_loop3A_357] {strides = array<i32>} : memref<128x128xf32, #tpu.memory_space<vmem>>, vector<16xf32>,
            %parallel_loop3A_359 = arith.addf %parallel_loop3A_340, %parallel_loop3A_358 : vector<16xf32>
            %parallel_loop3A_360 = arith.maximumf %parallel_loop3A_348, %parallel_loop3A_358 : vector<16xf32>
            %parallel_loop3A_361 = arith.index_cast %parallel_loop3A_339 : i32 to index
            %parallel_loop3A_362 = arith.constant 16 : index
            %parallel_loop3A_363 = tpu.vector_load %arg7[%parallel_loop3A_361, %parallel_loop3A_362] {strides = array<i32>} : memref<128x128xf32, #tpu.memory_space<vmem>>, vector<16xf32>,
            %parallel_loop3A_364 = arith.addf %parallel_loop3A_341, %parallel_loop3A_363 : vector<16xf32>
            %parallel_loop3A_365 = arith.maximumf %parallel_loop3A_349, %parallel_loop3A_363 : vector<16xf32>
            %parallel_loop3A_366 = arith.index_cast %parallel_loop3A_339 : i32 to index
            %parallel_loop3A_367 = arith.constant 32 : index
            %parallel_loop3A_368 = tpu.vector_load %arg7[%parallel_loop3A_366, %parallel_loop3A_367] {strides = array<i32>} : memref<128x128xf32, #tpu.memory_space<vmem>>, vector<16xf32>,
            %parallel_loop3A_369 = arith.addf %parallel_loop3A_342, %parallel_loop3A_368 : vector<16xf32>
            %parallel_loop3A_370 = arith.maximumf %parallel_loop3A_350, %parallel_loop3A_368 : vector<16xf32>
            %parallel_loop3A_371 = arith.index_cast %parallel_loop3A_339 : i32 to index
            %parallel_loop3A_372 = arith.constant 48 : index
            %parallel_loop3A_373 = tpu.vector_load %arg7[%parallel_loop3A_371, %parallel_loop3A_372] {strides = array<i32>} : memref<128x128xf32, #tpu.memory_space<vmem>>, vector<16xf32>,
            %parallel_loop3A_374 = arith.addf %parallel_loop3A_343, %parallel_loop3A_373 : vector<16xf32>
            %parallel_loop3A_375 = arith.maximumf %parallel_loop3A_351, %parallel_loop3A_373 : vector<16xf32>
            %parallel_loop3A_376 = arith.index_cast %parallel_loop3A_339 : i32 to index
            %parallel_loop3A_377 = arith.constant 64 : index
            %parallel_loop3A_378 = tpu.vector_load %arg7[%parallel_loop3A_376, %parallel_loop3A_377] {strides = array<i32>} : memref<128x128xf32, #tpu.memory_space<vmem>>, vector<16xf32>,
            %parallel_loop3A_379 = arith.addf %parallel_loop3A_344, %parallel_loop3A_378 : vector<16xf32>
            %parallel_loop3A_380 = arith.maximumf %parallel_loop3A_352, %parallel_loop3A_378 : vector<16xf32>
            %parallel_loop3A_381 = arith.index_cast %parallel_loop3A_339 : i32 to index
            %parallel_loop3A_382 = arith.constant 80 : index
            %parallel_loop3A_383 = tpu.vector_load %arg7[%parallel_loop3A_381, %parallel_loop3A_382] {strides = array<i32>} : memref<128x128xf32, #tpu.memory_space<vmem>>, vector<16xf32>,
            %parallel_loop3A_384 = arith.addf %parallel_loop3A_345, %parallel_loop3A_383 : vector<16xf32>
            %parallel_loop3A_385 = arith.maximumf %parallel_loop3A_353, %parallel_loop3A_383 : vector<16xf32>
            %parallel_loop3A_386 = arith.index_cast %parallel_loop3A_339 : i32 to index
            %parallel_loop3A_387 = arith.constant 96 : index
            %parallel_loop3A_388 = tpu.vector_load %arg7[%parallel_loop3A_386, %parallel_loop3A_387] {strides = array<i32>} : memref<128x128xf32, #tpu.memory_space<vmem>>, vector<16xf32>,
            %parallel_loop3A_389 = arith.addf %parallel_loop3A_346, %parallel_loop3A_388 : vector<16xf32>
            %parallel_loop3A_390 = arith.maximumf %parallel_loop3A_354, %parallel_loop3A_388 : vector<16xf32>
            %parallel_loop3A_391 = arith.index_cast %parallel_loop3A_339 : i32 to index
            %parallel_loop3A_392 = arith.constant 112 : index
            %parallel_loop3A_393 = tpu.vector_load %arg7[%parallel_loop3A_391, %parallel_loop3A_392] {strides = array<i32>} : memref<128x128xf32, #tpu.memory_space<vmem>>, vector<16xf32>,
            %parallel_loop3A_394 = arith.addf %parallel_loop3A_347, %parallel_loop3A_393 : vector<16xf32>
            %parallel_loop3A_395 = arith.maximumf %parallel_loop3A_355, %parallel_loop3A_393 : vector<16xf32>
            scf.yield %parallel_loop3A_359, %parallel_loop3A_364, %parallel_loop3A_369, %parallel_loop3A_374, %parallel_loop3A_379, %parallel_loop3A_384, %parallel_loop3A_389, %parallel_loop3A_394, %parallel_loop3A_360, %parallel_loop3A_365, %parallel_loop3A_370, %parallel_loop3A_375, %parallel_loop3A_380, %parallel_loop3A_385, %parallel_loop3A_390, %parallel_loop3A_395 : vector<16xf32>, vector<16xf32>, vector<16xf32>, vector<16xf32>, vector<16xf32>, vector<16xf32>, vector<16xf32>, vector<16xf32>, vector<16xf32>, vector<16xf32>, vector<16xf32>, vector<16xf32>, vector<16xf32>, vector<16xf32>, vector<16xf32>, vector<16xf32>
          } {sc.loop_unroll_factor = 2 : i64, sc.parallel_access}
          %add3A_321 = arith.constant 1 : i32
          %add3A_322 = arith.addi %mul3A_308, %add3A_321 : i32
          %add3A_323 = arith.constant 3 : i32
          %add3A_324 = arith.addi %mul3A_308, %add3A_323 : i32
          %lt3A_325 = arith.cmpi slt, %add3A_324, %select_n3A : i32
          %convert_element_type3A_326 = arith.extui %lt3A_325 : i1 to i32
          %cond3A_327 = arith.constant 0 : i32
          %cond3A_328 = arith.cmpi ne, %convert_element_type3A_326, %cond3A_327 : i32
          scf.if %cond3A_328 {
            %add3A_339 = arith.constant 3 : i32
            %add3A_340 = arith.addi %mul3A_308, %add3A_339 : i32
          } else {
          }
          %add3A_329 = arith.constant 1 : i32
          %add3A_330 = arith.addi %mul3A_308, %add3A_329 : i32
          %mul3A_331 = arith.constant 128 : i32
          %mul3A_332 = arith.muli %add3A_330, %mul3A_331 : i32
          %sub3A_333 = arith.subi %get3A_124, %mul3A_332 : i32
          %min3A_334 = arith.constant 128 : i32
          %min3A_335 = arith.minsi %sub3A_333, %min3A_334 : i32
          %parallel_loop3A_336 = arith.constant 0 : i32
          %parallel_loop3A_337 = arith.constant 1 : i32
          %parallel_loop3A_338:16 = scf.for %parallel_loop3A_339 = %parallel_loop3A_336 to %min3A_335 step %parallel_loop3A_337 iter_args(%parallel_loop3A_340 = %parallel_loop3A_320#0, %parallel_loop3A_341 = %parallel_loop3A_320#1, %parallel_loop3A_342 = %parallel_loop3A_320#2, %parallel_loop3A_343 = %parallel_loop3A_320#3, %parallel_loop3A_344 = %parallel_loop3A_320#4, %parallel_loop3A_345 = %parallel_loop3A_320#5, %parallel_loop3A_346 = %parallel_loop3A_320#6, %parallel_loop3A_347 = %parallel_loop3A_320#7, %parallel_loop3A_348 = %parallel_loop3A_320#8, %parallel_loop3A_349 = %parallel_loop3A_320#9, %parallel_loop3A_350 = %parallel_loop3A_320#10, %parallel_loop3A_351 = %parallel_loop3A_320#11, %parallel_loop3A_352 = %parallel_loop3A_320#12, %parallel_loop3A_353 = %parallel_loop3A_320#13, %parallel_loop3A_354 = %parallel_loop3A_320#14, %parallel_loop3A_355 = %parallel_loop3A_320#15) -> (vector<16xf32>, vector<16xf32>, vector<16xf32>, vector<16xf32>, vector<16xf32>, vector<16xf32>, vector<16xf32>, vector<16xf32>, vector<16xf32>, vector<16xf32>, vector<16xf32>, vector<16xf32>, vector<16xf32>, vector<16xf32>, vector<16xf32>, vector<16xf32>)  : i32 {
            %parallel_loop3A_356 = arith.index_cast %parallel_loop3A_339 : i32 to index
            %parallel_loop3A_357 = arith.constant 0 : index
            %parallel_loop3A_358 = tpu.vector_load %arg8[%parallel_loop3A_356, %parallel_loop3A_357] {strides = array<i32>} : memref<128x128xf32, #tpu.memory_space<vmem>>, vector<16xf32>,
            %parallel_loop3A_359 = arith.addf %parallel_loop3A_340, %parallel_loop3A_358 : vector<16xf32>
            %parallel_loop3A_360 = arith.maximumf %parallel_loop3A_348, %parallel_loop3A_358 : vector<16xf32>
            %parallel_loop3A_361 = arith.index_cast %parallel_loop3A_339 : i32 to index
            %parallel_loop3A_362 = arith.constant 16 : index
            %parallel_loop3A_363 = tpu.vector_load %arg8[%parallel_loop3A_361, %parallel_loop3A_362] {strides = array<i32>} : memref<128x128xf32, #tpu.memory_space<vmem>>, vector<16xf32>,
            %parallel_loop3A_364 = arith.addf %parallel_loop3A_341, %parallel_loop3A_363 : vector<16xf32>
            %parallel_loop3A_365 = arith.maximumf %parallel_loop3A_349, %parallel_loop3A_363 : vector<16xf32>
            %parallel_loop3A_366 = arith.index_cast %parallel_loop3A_339 : i32 to index
            %parallel_loop3A_367 = arith.constant 32 : index
            %parallel_loop3A_368 = tpu.vector_load %arg8[%parallel_loop3A_366, %parallel_loop3A_367] {strides = array<i32>} : memref<128x128xf32, #tpu.memory_space<vmem>>, vector<16xf32>,
            %parallel_loop3A_369 = arith.addf %parallel_loop3A_342, %parallel_loop3A_368 : vector<16xf32>
            %parallel_loop3A_370 = arith.maximumf %parallel_loop3A_350, %parallel_loop3A_368 : vector<16xf32>
            %parallel_loop3A_371 = arith.index_cast %parallel_loop3A_339 : i32 to index
            %parallel_loop3A_372 = arith.constant 48 : index
            %parallel_loop3A_373 = tpu.vector_load %arg8[%parallel_loop3A_371, %parallel_loop3A_372] {strides = array<i32>} : memref<128x128xf32, #tpu.memory_space<vmem>>, vector<16xf32>,
            %parallel_loop3A_374 = arith.addf %parallel_loop3A_343, %parallel_loop3A_373 : vector<16xf32>
            %parallel_loop3A_375 = arith.maximumf %parallel_loop3A_351, %parallel_loop3A_373 : vector<16xf32>
            %parallel_loop3A_376 = arith.index_cast %parallel_loop3A_339 : i32 to index
            %parallel_loop3A_377 = arith.constant 64 : index
            %parallel_loop3A_378 = tpu.vector_load %arg8[%parallel_loop3A_376, %parallel_loop3A_377] {strides = array<i32>} : memref<128x128xf32, #tpu.memory_space<vmem>>, vector<16xf32>,
            %parallel_loop3A_379 = arith.addf %parallel_loop3A_344, %parallel_loop3A_378 : vector<16xf32>
            %parallel_loop3A_380 = arith.maximumf %parallel_loop3A_352, %parallel_loop3A_378 : vector<16xf32>
            %parallel_loop3A_381 = arith.index_cast %parallel_loop3A_339 : i32 to index
            %parallel_loop3A_382 = arith.constant 80 : index
            %parallel_loop3A_383 = tpu.vector_load %arg8[%parallel_loop3A_381, %parallel_loop3A_382] {strides = array<i32>} : memref<128x128xf32, #tpu.memory_space<vmem>>, vector<16xf32>,
            %parallel_loop3A_384 = arith.addf %parallel_loop3A_345, %parallel_loop3A_383 : vector<16xf32>
            %parallel_loop3A_385 = arith.maximumf %parallel_loop3A_353, %parallel_loop3A_383 : vector<16xf32>
            %parallel_loop3A_386 = arith.index_cast %parallel_loop3A_339 : i32 to index
            %parallel_loop3A_387 = arith.constant 96 : index
            %parallel_loop3A_388 = tpu.vector_load %arg8[%parallel_loop3A_386, %parallel_loop3A_387] {strides = array<i32>} : memref<128x128xf32, #tpu.memory_space<vmem>>, vector<16xf32>,
            %parallel_loop3A_389 = arith.addf %parallel_loop3A_346, %parallel_loop3A_388 : vector<16xf32>
            %parallel_loop3A_390 = arith.maximumf %parallel_loop3A_354, %parallel_loop3A_388 : vector<16xf32>
            %parallel_loop3A_391 = arith.index_cast %parallel_loop3A_339 : i32 to index
            %parallel_loop3A_392 = arith.constant 112 : index
            %parallel_loop3A_393 = tpu.vector_load %arg8[%parallel_loop3A_391, %parallel_loop3A_392] {strides = array<i32>} : memref<128x128xf32, #tpu.memory_space<vmem>>, vector<16xf32>,
            %parallel_loop3A_394 = arith.addf %parallel_loop3A_347, %parallel_loop3A_393 : vector<16xf32>
            %parallel_loop3A_395 = arith.maximumf %parallel_loop3A_355, %parallel_loop3A_393 : vector<16xf32>
            scf.yield %parallel_loop3A_359, %parallel_loop3A_364, %parallel_loop3A_369, %parallel_loop3A_374, %parallel_loop3A_379, %parallel_loop3A_384, %parallel_loop3A_389, %parallel_loop3A_394, %parallel_loop3A_360, %parallel_loop3A_365, %parallel_loop3A_370, %parallel_loop3A_375, %parallel_loop3A_380, %parallel_loop3A_385, %parallel_loop3A_390, %parallel_loop3A_395 : vector<16xf32>, vector<16xf32>, vector<16xf32>, vector<16xf32>, vector<16xf32>, vector<16xf32>, vector<16xf32>, vector<16xf32>, vector<16xf32>, vector<16xf32>, vector<16xf32>, vector<16xf32>, vector<16xf32>, vector<16xf32>, vector<16xf32>, vector<16xf32>
          } {sc.loop_unroll_factor = 2 : i64, sc.parallel_access}
          scf.yield %parallel_loop3A_338#0, %parallel_loop3A_338#1, %parallel_loop3A_338#2, %parallel_loop3A_338#3, %parallel_loop3A_338#4, %parallel_loop3A_338#5, %parallel_loop3A_338#6, %parallel_loop3A_338#7, %parallel_loop3A_338#8, %parallel_loop3A_338#9, %parallel_loop3A_338#10, %parallel_loop3A_338#11, %parallel_loop3A_338#12, %parallel_loop3A_338#13, %parallel_loop3A_338#14, %parallel_loop3A_338#15 : vector<16xf32>, vector<16xf32>, vector<16xf32>, vector<16xf32>, vector<16xf32>, vector<16xf32>, vector<16xf32>, vector<16xf32>, vector<16xf32>, vector<16xf32>, vector<16xf32>, vector<16xf32>, vector<16xf32>, vector<16xf32>, vector<16xf32>, vector<16xf32>
        }
        %while3A_186 = arith.constant 1 : i32
        %while3A_187:16 = scf.for %while3A_290 = %while3A_183 to %while3A_179 step %while3A_186 iter_args(%while3A_291 = %while3A_185#0, %while3A_292 = %while3A_185#1, %while3A_293 = %while3A_185#2, %while3A_294 = %while3A_185#3, %while3A_295 = %while3A_185#4, %while3A_296 = %while3A_185#5, %while3A_297 = %while3A_185#6, %while3A_298 = %while3A_185#7, %while3A_299 = %while3A_185#8, %while3A_300 = %while3A_185#9, %while3A_301 = %while3A_185#10, %while3A_302 = %while3A_185#11, %while3A_303 = %while3A_185#12, %while3A_304 = %while3A_185#13, %while3A_305 = %while3A_185#14, %while3A_306 = %while3A_185#15) -> (vector<16xf32>, vector<16xf32>, vector<16xf32>, vector<16xf32>, vector<16xf32>, vector<16xf32>, vector<16xf32>, vector<16xf32>, vector<16xf32>, vector<16xf32>, vector<16xf32>, vector<16xf32>, vector<16xf32>, vector<16xf32>, vector<16xf32>, vector<16xf32>)  : i32 {
          %mul3A_307 = arith.constant 2 : i32
          %mul3A_308 = arith.muli %while3A_290, %mul3A_307 : i32
          %add3A_309 = arith.constant 2 : i32
          %add3A_310 = arith.addi %mul3A_308, %add3A_309 : i32
          %lt3A = arith.cmpi slt, %add3A_310, %select_n3A : i32
          %convert_element_type3A_311 = arith.extui %lt3A : i1 to i32
          %cond3A_312 = arith.constant 0 : i32
          %cond3A_313 = arith.cmpi ne, %convert_element_type3A_311, %cond3A_312 : i32
          scf.if %cond3A_313 {
            %add3A_339 = arith.constant 2 : i32
            %add3A_340 = arith.addi %mul3A_308, %add3A_339 : i32
          } else {
          }
          %mul3A_314 = arith.constant 128 : i32
          %mul3A_315 = arith.muli %mul3A_308, %mul3A_314 : i32
          %sub3A_316 = arith.subi %get3A_124, %mul3A_315 : i32
          %min3A = arith.constant 128 : i32
          %min3A_317 = arith.minsi %sub3A_316, %min3A : i32
          %parallel_loop3A_318 = arith.constant 0 : i32
          %parallel_loop3A_319 = arith.constant 1 : i32
          %parallel_loop3A_320:16 = scf.for %parallel_loop3A_339 = %parallel_loop3A_318 to %min3A_317 step %parallel_loop3A_319 iter_args(%parallel_loop3A_340 = %while3A_291, %parallel_loop3A_341 = %while3A_292, %parallel_loop3A_342 = %while3A_293, %parallel_loop3A_343 = %while3A_294, %parallel_loop3A_344 = %while3A_295, %parallel_loop3A_345 = %while3A_296, %parallel_loop3A_346 = %while3A_297, %parallel_loop3A_347 = %while3A_298, %parallel_loop3A_348 = %while3A_299, %parallel_loop3A_349 = %while3A_300, %parallel_loop3A_350 = %while3A_301, %parallel_loop3A_351 = %while3A_302, %parallel_loop3A_352 = %while3A_303, %parallel_loop3A_353 = %while3A_304, %parallel_loop3A_354 = %while3A_305, %parallel_loop3A_355 = %while3A_306) -> (vector<16xf32>, vector<16xf32>, vector<16xf32>, vector<16xf32>, vector<16xf32>, vector<16xf32>, vector<16xf32>, vector<16xf32>, vector<16xf32>, vector<16xf32>, vector<16xf32>, vector<16xf32>, vector<16xf32>, vector<16xf32>, vector<16xf32>, vector<16xf32>)  : i32 {
            %parallel_loop3A_356 = arith.index_cast %parallel_loop3A_339 : i32 to index
            %parallel_loop3A_357 = arith.constant 0 : index
            %parallel_loop3A_358 = tpu.vector_load %arg7[%parallel_loop3A_356, %parallel_loop3A_357] {strides = array<i32>} : memref<128x128xf32, #tpu.memory_space<vmem>>, vector<16xf32>,
            %parallel_loop3A_359 = arith.addf %parallel_loop3A_340, %parallel_loop3A_358 : vector<16xf32>
            %parallel_loop3A_360 = arith.maximumf %parallel_loop3A_348, %parallel_loop3A_358 : vector<16xf32>
            %parallel_loop3A_361 = arith.index_cast %parallel_loop3A_339 : i32 to index
            %parallel_loop3A_362 = arith.constant 16 : index
            %parallel_loop3A_363 = tpu.vector_load %arg7[%parallel_loop3A_361, %parallel_loop3A_362] {strides = array<i32>} : memref<128x128xf32, #tpu.memory_space<vmem>>, vector<16xf32>,
            %parallel_loop3A_364 = arith.addf %parallel_loop3A_341, %parallel_loop3A_363 : vector<16xf32>
            %parallel_loop3A_365 = arith.maximumf %parallel_loop3A_349, %parallel_loop3A_363 : vector<16xf32>
            %parallel_loop3A_366 = arith.index_cast %parallel_loop3A_339 : i32 to index
            %parallel_loop3A_367 = arith.constant 32 : index
            %parallel_loop3A_368 = tpu.vector_load %arg7[%parallel_loop3A_366, %parallel_loop3A_367] {strides = array<i32>} : memref<128x128xf32, #tpu.memory_space<vmem>>, vector<16xf32>,
            %parallel_loop3A_369 = arith.addf %parallel_loop3A_342, %parallel_loop3A_368 : vector<16xf32>
            %parallel_loop3A_370 = arith.maximumf %parallel_loop3A_350, %parallel_loop3A_368 : vector<16xf32>
            %parallel_loop3A_371 = arith.index_cast %parallel_loop3A_339 : i32 to index
            %parallel_loop3A_372 = arith.constant 48 : index
            %parallel_loop3A_373 = tpu.vector_load %arg7[%parallel_loop3A_371, %parallel_loop3A_372] {strides = array<i32>} : memref<128x128xf32, #tpu.memory_space<vmem>>, vector<16xf32>,
            %parallel_loop3A_374 = arith.addf %parallel_loop3A_343, %parallel_loop3A_373 : vector<16xf32>
            %parallel_loop3A_375 = arith.maximumf %parallel_loop3A_351, %parallel_loop3A_373 : vector<16xf32>
            %parallel_loop3A_376 = arith.index_cast %parallel_loop3A_339 : i32 to index
            %parallel_loop3A_377 = arith.constant 64 : index
            %parallel_loop3A_378 = tpu.vector_load %arg7[%parallel_loop3A_376, %parallel_loop3A_377] {strides = array<i32>} : memref<128x128xf32, #tpu.memory_space<vmem>>, vector<16xf32>,
            %parallel_loop3A_379 = arith.addf %parallel_loop3A_344, %parallel_loop3A_378 : vector<16xf32>
            %parallel_loop3A_380 = arith.maximumf %parallel_loop3A_352, %parallel_loop3A_378 : vector<16xf32>
            %parallel_loop3A_381 = arith.index_cast %parallel_loop3A_339 : i32 to index
            %parallel_loop3A_382 = arith.constant 80 : index
            %parallel_loop3A_383 = tpu.vector_load %arg7[%parallel_loop3A_381, %parallel_loop3A_382] {strides = array<i32>} : memref<128x128xf32, #tpu.memory_space<vmem>>, vector<16xf32>,
            %parallel_loop3A_384 = arith.addf %parallel_loop3A_345, %parallel_loop3A_383 : vector<16xf32>
            %parallel_loop3A_385 = arith.maximumf %parallel_loop3A_353, %parallel_loop3A_383 : vector<16xf32>
            %parallel_loop3A_386 = arith.index_cast %parallel_loop3A_339 : i32 to index
            %parallel_loop3A_387 = arith.constant 96 : index
            %parallel_loop3A_388 = tpu.vector_load %arg7[%parallel_loop3A_386, %parallel_loop3A_387] {strides = array<i32>} : memref<128x128xf32, #tpu.memory_space<vmem>>, vector<16xf32>,
            %parallel_loop3A_389 = arith.addf %parallel_loop3A_346, %parallel_loop3A_388 : vector<16xf32>
            %parallel_loop3A_390 = arith.maximumf %parallel_loop3A_354, %parallel_loop3A_388 : vector<16xf32>
            %parallel_loop3A_391 = arith.index_cast %parallel_loop3A_339 : i32 to index
            %parallel_loop3A_392 = arith.constant 112 : index
            %parallel_loop3A_393 = tpu.vector_load %arg7[%parallel_loop3A_391, %parallel_loop3A_392] {strides = array<i32>} : memref<128x128xf32, #tpu.memory_space<vmem>>, vector<16xf32>,
            %parallel_loop3A_394 = arith.addf %parallel_loop3A_347, %parallel_loop3A_393 : vector<16xf32>
            %parallel_loop3A_395 = arith.maximumf %parallel_loop3A_355, %parallel_loop3A_393 : vector<16xf32>
            scf.yield %parallel_loop3A_359, %parallel_loop3A_364, %parallel_loop3A_369, %parallel_loop3A_374, %parallel_loop3A_379, %parallel_loop3A_384, %parallel_loop3A_389, %parallel_loop3A_394, %parallel_loop3A_360, %parallel_loop3A_365, %parallel_loop3A_370, %parallel_loop3A_375, %parallel_loop3A_380, %parallel_loop3A_385, %parallel_loop3A_390, %parallel_loop3A_395 : vector<16xf32>, vector<16xf32>, vector<16xf32>, vector<16xf32>, vector<16xf32>, vector<16xf32>, vector<16xf32>, vector<16xf32>, vector<16xf32>, vector<16xf32>, vector<16xf32>, vector<16xf32>, vector<16xf32>, vector<16xf32>, vector<16xf32>, vector<16xf32>
          } {sc.loop_unroll_factor = 2 : i64, sc.parallel_access}
          %add3A_321 = arith.constant 1 : i32
          %add3A_322 = arith.addi %mul3A_308, %add3A_321 : i32
          %add3A_323 = arith.constant 3 : i32
          %add3A_324 = arith.addi %mul3A_308, %add3A_323 : i32
          %lt3A_325 = arith.cmpi slt, %add3A_324, %select_n3A : i32
          %convert_element_type3A_326 = arith.extui %lt3A_325 : i1 to i32
          %cond3A_327 = arith.constant 0 : i32
          %cond3A_328 = arith.cmpi ne, %convert_element_type3A_326, %cond3A_327 : i32
          scf.if %cond3A_328 {
            %add3A_339 = arith.constant 3 : i32
            %add3A_340 = arith.addi %mul3A_308, %add3A_339 : i32
          } else {
          }
          %add3A_329 = arith.constant 1 : i32
          %add3A_330 = arith.addi %mul3A_308, %add3A_329 : i32
          %mul3A_331 = arith.constant 128 : i32
          %mul3A_332 = arith.muli %add3A_330, %mul3A_331 : i32
          %sub3A_333 = arith.subi %get3A_124, %mul3A_332 : i32
          %min3A_334 = arith.constant 128 : i32
          %min3A_335 = arith.minsi %sub3A_333, %min3A_334 : i32
          %parallel_loop3A_336 = arith.constant 0 : i32
          %parallel_loop3A_337 = arith.constant 1 : i32
          %parallel_loop3A_338:16 = scf.for %parallel_loop3A_339 = %parallel_loop3A_336 to %min3A_335 step %parallel_loop3A_337 iter_args(%parallel_loop3A_340 = %parallel_loop3A_320#0, %parallel_loop3A_341 = %parallel_loop3A_320#1, %parallel_loop3A_342 = %parallel_loop3A_320#2, %parallel_loop3A_343 = %parallel_loop3A_320#3, %parallel_loop3A_344 = %parallel_loop3A_320#4, %parallel_loop3A_345 = %parallel_loop3A_320#5, %parallel_loop3A_346 = %parallel_loop3A_320#6, %parallel_loop3A_347 = %parallel_loop3A_320#7, %parallel_loop3A_348 = %parallel_loop3A_320#8, %parallel_loop3A_349 = %parallel_loop3A_320#9, %parallel_loop3A_350 = %parallel_loop3A_320#10, %parallel_loop3A_351 = %parallel_loop3A_320#11, %parallel_loop3A_352 = %parallel_loop3A_320#12, %parallel_loop3A_353 = %parallel_loop3A_320#13, %parallel_loop3A_354 = %parallel_loop3A_320#14, %parallel_loop3A_355 = %parallel_loop3A_320#15) -> (vector<16xf32>, vector<16xf32>, vector<16xf32>, vector<16xf32>, vector<16xf32>, vector<16xf32>, vector<16xf32>, vector<16xf32>, vector<16xf32>, vector<16xf32>, vector<16xf32>, vector<16xf32>, vector<16xf32>, vector<16xf32>, vector<16xf32>, vector<16xf32>)  : i32 {
            %parallel_loop3A_356 = arith.index_cast %parallel_loop3A_339 : i32 to index
            %parallel_loop3A_357 = arith.constant 0 : index
            %parallel_loop3A_358 = tpu.vector_load %arg8[%parallel_loop3A_356, %parallel_loop3A_357] {strides = array<i32>} : memref<128x128xf32, #tpu.memory_space<vmem>>, vector<16xf32>,
            %parallel_loop3A_359 = arith.addf %parallel_loop3A_340, %parallel_loop3A_358 : vector<16xf32>
            %parallel_loop3A_360 = arith.maximumf %parallel_loop3A_348, %parallel_loop3A_358 : vector<16xf32>
            %parallel_loop3A_361 = arith.index_cast %parallel_loop3A_339 : i32 to index
            %parallel_loop3A_362 = arith.constant 16 : index
            %parallel_loop3A_363 = tpu.vector_load %arg8[%parallel_loop3A_361, %parallel_loop3A_362] {strides = array<i32>} : memref<128x128xf32, #tpu.memory_space<vmem>>, vector<16xf32>,
            %parallel_loop3A_364 = arith.addf %parallel_loop3A_341, %parallel_loop3A_363 : vector<16xf32>
            %parallel_loop3A_365 = arith.maximumf %parallel_loop3A_349, %parallel_loop3A_363 : vector<16xf32>
            %parallel_loop3A_366 = arith.index_cast %parallel_loop3A_339 : i32 to index
            %parallel_loop3A_367 = arith.constant 32 : index
            %parallel_loop3A_368 = tpu.vector_load %arg8[%parallel_loop3A_366, %parallel_loop3A_367] {strides = array<i32>} : memref<128x128xf32, #tpu.memory_space<vmem>>, vector<16xf32>,
            %parallel_loop3A_369 = arith.addf %parallel_loop3A_342, %parallel_loop3A_368 : vector<16xf32>
            %parallel_loop3A_370 = arith.maximumf %parallel_loop3A_350, %parallel_loop3A_368 : vector<16xf32>
            %parallel_loop3A_371 = arith.index_cast %parallel_loop3A_339 : i32 to index
            %parallel_loop3A_372 = arith.constant 48 : index
            %parallel_loop3A_373 = tpu.vector_load %arg8[%parallel_loop3A_371, %parallel_loop3A_372] {strides = array<i32>} : memref<128x128xf32, #tpu.memory_space<vmem>>, vector<16xf32>,
            %parallel_loop3A_374 = arith.addf %parallel_loop3A_343, %parallel_loop3A_373 : vector<16xf32>
            %parallel_loop3A_375 = arith.maximumf %parallel_loop3A_351, %parallel_loop3A_373 : vector<16xf32>
            %parallel_loop3A_376 = arith.index_cast %parallel_loop3A_339 : i32 to index
            %parallel_loop3A_377 = arith.constant 64 : index
            %parallel_loop3A_378 = tpu.vector_load %arg8[%parallel_loop3A_376, %parallel_loop3A_377] {strides = array<i32>} : memref<128x128xf32, #tpu.memory_space<vmem>>, vector<16xf32>,
            %parallel_loop3A_379 = arith.addf %parallel_loop3A_344, %parallel_loop3A_378 : vector<16xf32>
            %parallel_loop3A_380 = arith.maximumf %parallel_loop3A_352, %parallel_loop3A_378 : vector<16xf32>
            %parallel_loop3A_381 = arith.index_cast %parallel_loop3A_339 : i32 to index
            %parallel_loop3A_382 = arith.constant 80 : index
            %parallel_loop3A_383 = tpu.vector_load %arg8[%parallel_loop3A_381, %parallel_loop3A_382] {strides = array<i32>} : memref<128x128xf32, #tpu.memory_space<vmem>>, vector<16xf32>,
            %parallel_loop3A_384 = arith.addf %parallel_loop3A_345, %parallel_loop3A_383 : vector<16xf32>
            %parallel_loop3A_385 = arith.maximumf %parallel_loop3A_353, %parallel_loop3A_383 : vector<16xf32>
            %parallel_loop3A_386 = arith.index_cast %parallel_loop3A_339 : i32 to index
            %parallel_loop3A_387 = arith.constant 96 : index
            %parallel_loop3A_388 = tpu.vector_load %arg8[%parallel_loop3A_386, %parallel_loop3A_387] {strides = array<i32>} : memref<128x128xf32, #tpu.memory_space<vmem>>, vector<16xf32>,
            %parallel_loop3A_389 = arith.addf %parallel_loop3A_346, %parallel_loop3A_388 : vector<16xf32>
            %parallel_loop3A_390 = arith.maximumf %parallel_loop3A_354, %parallel_loop3A_388 : vector<16xf32>
            %parallel_loop3A_391 = arith.index_cast %parallel_loop3A_339 : i32 to index
            %parallel_loop3A_392 = arith.constant 112 : index
            %parallel_loop3A_393 = tpu.vector_load %arg8[%parallel_loop3A_391, %parallel_loop3A_392] {strides = array<i32>} : memref<128x128xf32, #tpu.memory_space<vmem>>, vector<16xf32>,
            %parallel_loop3A_394 = arith.addf %parallel_loop3A_347, %parallel_loop3A_393 : vector<16xf32>
            %parallel_loop3A_395 = arith.maximumf %parallel_loop3A_355, %parallel_loop3A_393 : vector<16xf32>
            scf.yield %parallel_loop3A_359, %parallel_loop3A_364, %parallel_loop3A_369, %parallel_loop3A_374, %parallel_loop3A_379, %parallel_loop3A_384, %parallel_loop3A_389, %parallel_loop3A_394, %parallel_loop3A_360, %parallel_loop3A_365, %parallel_loop3A_370, %parallel_loop3A_375, %parallel_loop3A_380, %parallel_loop3A_385, %parallel_loop3A_390, %parallel_loop3A_395 : vector<16xf32>, vector<16xf32>, vector<16xf32>, vector<16xf32>, vector<16xf32>, vector<16xf32>, vector<16xf32>, vector<16xf32>, vector<16xf32>, vector<16xf32>, vector<16xf32>, vector<16xf32>, vector<16xf32>, vector<16xf32>, vector<16xf32>, vector<16xf32>
          } {sc.loop_unroll_factor = 2 : i64, sc.parallel_access}
          scf.yield %parallel_loop3A_338#0, %parallel_loop3A_338#1, %parallel_loop3A_338#2, %parallel_loop3A_338#3, %parallel_loop3A_338#4, %parallel_loop3A_338#5, %parallel_loop3A_338#6, %parallel_loop3A_338#7, %parallel_loop3A_338#8, %parallel_loop3A_338#9, %parallel_loop3A_338#10, %parallel_loop3A_338#11, %parallel_loop3A_338#12, %parallel_loop3A_338#13, %parallel_loop3A_338#14, %parallel_loop3A_338#15 : vector<16xf32>, vector<16xf32>, vector<16xf32>, vector<16xf32>, vector<16xf32>, vector<16xf32>, vector<16xf32>, vector<16xf32>, vector<16xf32>, vector<16xf32>, vector<16xf32>, vector<16xf32>, vector<16xf32>, vector<16xf32>, vector<16xf32>, vector<16xf32>
        }
        %rem3A_188 = arith.constant 2 : i32
        %rem3A_189 = arith.remsi %select_n3A, %rem3A_188 : i32
        %eq3A = arith.constant 1 : i32
        %eq3A_190 = arith.cmpi eq, %rem3A_189, %eq3A : i32
        %convert_element_type3A_191 = arith.extui %eq3A_190 : i1 to i32
        %cond3A_192 = arith.constant 0 : i32
        %cond3A_193 = arith.cmpi ne, %convert_element_type3A_191, %cond3A_192 : i32
        %cond3A_194:16 = scf.if %cond3A_193 -> (vector<16xf32>, vector<16xf32>, vector<16xf32>, vector<16xf32>, vector<16xf32>, vector<16xf32>, vector<16xf32>, vector<16xf32>, vector<16xf32>, vector<16xf32>, vector<16xf32>, vector<16xf32>, vector<16xf32>, vector<16xf32>, vector<16xf32>, vector<16xf32>) {
          %sub3A_290 = arith.constant 1 : i32
          %sub3A_291 = arith.subi %select_n3A, %sub3A_290 : i32
          %mul3A_292 = arith.constant 128 : i32
          %mul3A_293 = arith.muli %sub3A_291, %mul3A_292 : i32
          %sub3A_294 = arith.subi %get3A_124, %mul3A_293 : i32
          %min3A = arith.constant 128 : i32
          %min3A_295 = arith.minsi %sub3A_294, %min3A : i32
          %parallel_loop3A_296 = arith.constant 0 : i32
          %parallel_loop3A_297 = arith.constant 1 : i32
          %parallel_loop3A_298:16 = scf.for %parallel_loop3A_299 = %parallel_loop3A_296 to %min3A_295 step %parallel_loop3A_297 iter_args(%parallel_loop3A_300 = %while3A_187#0, %parallel_loop3A_301 = %while3A_187#1, %parallel_loop3A_302 = %while3A_187#2, %parallel_loop3A_303 = %while3A_187#3, %parallel_loop3A_304 = %while3A_187#4, %parallel_loop3A_305 = %while3A_187#5, %parallel_loop3A_306 = %while3A_187#6, %parallel_loop3A_307 = %while3A_187#7, %parallel_loop3A_308 = %while3A_187#8, %parallel_loop3A_309 = %while3A_187#9, %parallel_loop3A_310 = %while3A_187#10, %parallel_loop3A_311 = %while3A_187#11, %parallel_loop3A_312 = %while3A_187#12, %parallel_loop3A_313 = %while3A_187#13, %parallel_loop3A_314 = %while3A_187#14, %parallel_loop3A_315 = %while3A_187#15) -> (vector<16xf32>, vector<16xf32>, vector<16xf32>, vector<16xf32>, vector<16xf32>, vector<16xf32>, vector<16xf32>, vector<16xf32>, vector<16xf32>, vector<16xf32>, vector<16xf32>, vector<16xf32>, vector<16xf32>, vector<16xf32>, vector<16xf32>, vector<16xf32>)  : i32 {
            %parallel_loop3A_316 = arith.index_cast %parallel_loop3A_299 : i32 to index
            %parallel_loop3A_317 = arith.constant 0 : index
            %parallel_loop3A_318 = tpu.vector_load %arg7[%parallel_loop3A_316, %parallel_loop3A_317] {strides = array<i32>} : memref<128x128xf32, #tpu.memory_space<vmem>>, vector<16xf32>,
            %parallel_loop3A_319 = arith.addf %parallel_loop3A_300, %parallel_loop3A_318 : vector<16xf32>
            %parallel_loop3A_320 = arith.maximumf %parallel_loop3A_308, %parallel_loop3A_318 : vector<16xf32>
            %parallel_loop3A_321 = arith.index_cast %parallel_loop3A_299 : i32 to index
            %parallel_loop3A_322 = arith.constant 16 : index
            %parallel_loop3A_323 = tpu.vector_load %arg7[%parallel_loop3A_321, %parallel_loop3A_322] {strides = array<i32>} : memref<128x128xf32, #tpu.memory_space<vmem>>, vector<16xf32>,
            %parallel_loop3A_324 = arith.addf %parallel_loop3A_301, %parallel_loop3A_323 : vector<16xf32>
            %parallel_loop3A_325 = arith.maximumf %parallel_loop3A_309, %parallel_loop3A_323 : vector<16xf32>
            %parallel_loop3A_326 = arith.index_cast %parallel_loop3A_299 : i32 to index
            %parallel_loop3A_327 = arith.constant 32 : index
            %parallel_loop3A_328 = tpu.vector_load %arg7[%parallel_loop3A_326, %parallel_loop3A_327] {strides = array<i32>} : memref<128x128xf32, #tpu.memory_space<vmem>>, vector<16xf32>,
            %parallel_loop3A_329 = arith.addf %parallel_loop3A_302, %parallel_loop3A_328 : vector<16xf32>
            %parallel_loop3A_330 = arith.maximumf %parallel_loop3A_310, %parallel_loop3A_328 : vector<16xf32>
            %parallel_loop3A_331 = arith.index_cast %parallel_loop3A_299 : i32 to index
            %parallel_loop3A_332 = arith.constant 48 : index
            %parallel_loop3A_333 = tpu.vector_load %arg7[%parallel_loop3A_331, %parallel_loop3A_332] {strides = array<i32>} : memref<128x128xf32, #tpu.memory_space<vmem>>, vector<16xf32>,
            %parallel_loop3A_334 = arith.addf %parallel_loop3A_303, %parallel_loop3A_333 : vector<16xf32>
            %parallel_loop3A_335 = arith.maximumf %parallel_loop3A_311, %parallel_loop3A_333 : vector<16xf32>
            %parallel_loop3A_336 = arith.index_cast %parallel_loop3A_299 : i32 to index
            %parallel_loop3A_337 = arith.constant 64 : index
            %parallel_loop3A_338 = tpu.vector_load %arg7[%parallel_loop3A_336, %parallel_loop3A_337] {strides = array<i32>} : memref<128x128xf32, #tpu.memory_space<vmem>>, vector<16xf32>,
            %parallel_loop3A_339 = arith.addf %parallel_loop3A_304, %parallel_loop3A_338 : vector<16xf32>
            %parallel_loop3A_340 = arith.maximumf %parallel_loop3A_312, %parallel_loop3A_338 : vector<16xf32>
            %parallel_loop3A_341 = arith.index_cast %parallel_loop3A_299 : i32 to index
            %parallel_loop3A_342 = arith.constant 80 : index
            %parallel_loop3A_343 = tpu.vector_load %arg7[%parallel_loop3A_341, %parallel_loop3A_342] {strides = array<i32>} : memref<128x128xf32, #tpu.memory_space<vmem>>, vector<16xf32>,
            %parallel_loop3A_344 = arith.addf %parallel_loop3A_305, %parallel_loop3A_343 : vector<16xf32>
            %parallel_loop3A_345 = arith.maximumf %parallel_loop3A_313, %parallel_loop3A_343 : vector<16xf32>
            %parallel_loop3A_346 = arith.index_cast %parallel_loop3A_299 : i32 to index
            %parallel_loop3A_347 = arith.constant 96 : index
            %parallel_loop3A_348 = tpu.vector_load %arg7[%parallel_loop3A_346, %parallel_loop3A_347] {strides = array<i32>} : memref<128x128xf32, #tpu.memory_space<vmem>>, vector<16xf32>,
            %parallel_loop3A_349 = arith.addf %parallel_loop3A_306, %parallel_loop3A_348 : vector<16xf32>
            %parallel_loop3A_350 = arith.maximumf %parallel_loop3A_314, %parallel_loop3A_348 : vector<16xf32>
            %parallel_loop3A_351 = arith.index_cast %parallel_loop3A_299 : i32 to index
            %parallel_loop3A_352 = arith.constant 112 : index
            %parallel_loop3A_353 = tpu.vector_load %arg7[%parallel_loop3A_351, %parallel_loop3A_352] {strides = array<i32>} : memref<128x128xf32, #tpu.memory_space<vmem>>, vector<16xf32>,
            %parallel_loop3A_354 = arith.addf %parallel_loop3A_307, %parallel_loop3A_353 : vector<16xf32>
            %parallel_loop3A_355 = arith.maximumf %parallel_loop3A_315, %parallel_loop3A_353 : vector<16xf32>
            scf.yield %parallel_loop3A_319, %parallel_loop3A_324, %parallel_loop3A_329, %parallel_loop3A_334, %parallel_loop3A_339, %parallel_loop3A_344, %parallel_loop3A_349, %parallel_loop3A_354, %parallel_loop3A_320, %parallel_loop3A_325, %parallel_loop3A_330, %parallel_loop3A_335, %parallel_loop3A_340, %parallel_loop3A_345, %parallel_loop3A_350, %parallel_loop3A_355 : vector<16xf32>, vector<16xf32>, vector<16xf32>, vector<16xf32>, vector<16xf32>, vector<16xf32>, vector<16xf32>, vector<16xf32>, vector<16xf32>, vector<16xf32>, vector<16xf32>, vector<16xf32>, vector<16xf32>, vector<16xf32>, vector<16xf32>, vector<16xf32>
          } {sc.loop_unroll_factor = 2 : i64, sc.parallel_access}
          scf.yield %parallel_loop3A_298#0, %parallel_loop3A_298#1, %parallel_loop3A_298#2, %parallel_loop3A_298#3, %parallel_loop3A_298#4, %parallel_loop3A_298#5, %parallel_loop3A_298#6, %parallel_loop3A_298#7, %parallel_loop3A_298#8, %parallel_loop3A_298#9, %parallel_loop3A_298#10, %parallel_loop3A_298#11, %parallel_loop3A_298#12, %parallel_loop3A_298#13, %parallel_loop3A_298#14, %parallel_loop3A_298#15 : vector<16xf32>, vector<16xf32>, vector<16xf32>, vector<16xf32>, vector<16xf32>, vector<16xf32>, vector<16xf32>, vector<16xf32>, vector<16xf32>, vector<16xf32>, vector<16xf32>, vector<16xf32>, vector<16xf32>, vector<16xf32>, vector<16xf32>, vector<16xf32>
        } else {
          scf.yield %while3A_187#0, %while3A_187#1, %while3A_187#2, %while3A_187#3, %while3A_187#4, %while3A_187#5, %while3A_187#6, %while3A_187#7, %while3A_187#8, %while3A_187#9, %while3A_187#10, %while3A_187#11, %while3A_187#12, %while3A_187#13, %while3A_187#14, %while3A_187#15 : vector<16xf32>, vector<16xf32>, vector<16xf32>, vector<16xf32>, vector<16xf32>, vector<16xf32>, vector<16xf32>, vector<16xf32>, vector<16xf32>, vector<16xf32>, vector<16xf32>, vector<16xf32>, vector<16xf32>, vector<16xf32>, vector<16xf32>, vector<16xf32>
        }
        %broadcast_in_dim3A_195 = vector.broadcast %get3A_124 : i32 to vector<16xi32>
        %convert_element_type3A_196 = arith.sitofp %broadcast_in_dim3A_195 : vector<16xi32> to vector<16xf32>
        %gt3A = arith.constant 0.000000e+00 : f32
        %gt3A_197 = vector.broadcast %gt3A : f32 to vector<16xf32>
        %gt3A_198 = arith.cmpf ogt, %convert_element_type3A_196, %gt3A_197 : vector<16xf32>
        %max3A = arith.constant 1.000000e+00 : f32
        %max3A_199 = vector.broadcast %max3A : f32 to vector<16xf32>
        %max3A_200 = arith.maximumf %convert_element_type3A_196, %max3A_199 : vector<16xf32>
        %div3A_201 = arith.divf %cond3A_194#0, %max3A_200 : vector<16xf32>
        %jit3A_202 = arith.constant 0.000000e+00 : f32
        %broadcast_in_dim3A_203 = vector.broadcast %jit3A_202 : f32 to vector<16xf32>
        %select_n3A_204 = arith.select %gt3A_198, %cond3A_194#8, %broadcast_in_dim3A_203 : vector<16xi1>, vector<16xf32>
        %add3A_205 = arith.addf %div3A_201, %select_n3A_204 : vector<16xf32>
        %mul3A_206 = arith.constant 128 : i32
        %mul3A_207 = arith.muli %scan3A_122, %mul3A_206 : i32
        %add3A_208 = arith.constant 0 : i32
        %add3A_209 = arith.addi %mul3A_207, %add3A_208 : i32
        %swap3A_210 = arith.index_cast %add3A_209 : i32 to index
        %swap3A_211 = tpu.vector_load %arg9[%swap3A_210] {strides = array<i32>} : memref<1024xf32, #tpu.memory_space<vmem>>, vector<16xf32>,
        tpu.vector_store %arg9[%swap3A_210], %add3A_205 {strides = array<i32>} : memref<1024xf32, #tpu.memory_space<vmem>>, vector<16xf32>,
        %div3A_212 = arith.divf %cond3A_194#1, %max3A_200 : vector<16xf32>
        %jit3A_213 = arith.constant 0.000000e+00 : f32
        %broadcast_in_dim3A_214 = vector.broadcast %jit3A_213 : f32 to vector<16xf32>
        %select_n3A_215 = arith.select %gt3A_198, %cond3A_194#9, %broadcast_in_dim3A_214 : vector<16xi1>, vector<16xf32>
        %add3A_216 = arith.addf %div3A_212, %select_n3A_215 : vector<16xf32>
        %mul3A_217 = arith.constant 128 : i32
        %mul3A_218 = arith.muli %scan3A_122, %mul3A_217 : i32
        %add3A_219 = arith.constant 16 : i32
        %add3A_220 = arith.addi %mul3A_218, %add3A_219 : i32
        %swap3A_221 = arith.index_cast %add3A_220 : i32 to index
        %swap3A_222 = tpu.vector_load %arg9[%swap3A_221] {strides = array<i32>} : memref<1024xf32, #tpu.memory_space<vmem>>, vector<16xf32>,
        tpu.vector_store %arg9[%swap3A_221], %add3A_216 {strides = array<i32>} : memref<1024xf32, #tpu.memory_space<vmem>>, vector<16xf32>,
        %div3A_223 = arith.divf %cond3A_194#2, %max3A_200 : vector<16xf32>
        %jit3A_224 = arith.constant 0.000000e+00 : f32
        %broadcast_in_dim3A_225 = vector.broadcast %jit3A_224 : f32 to vector<16xf32>
        %select_n3A_226 = arith.select %gt3A_198, %cond3A_194#10, %broadcast_in_dim3A_225 : vector<16xi1>, vector<16xf32>
        %add3A_227 = arith.addf %div3A_223, %select_n3A_226 : vector<16xf32>
        %mul3A_228 = arith.constant 128 : i32
        %mul3A_229 = arith.muli %scan3A_122, %mul3A_228 : i32
        %add3A_230 = arith.constant 32 : i32
        %add3A_231 = arith.addi %mul3A_229, %add3A_230 : i32
        %swap3A_232 = arith.index_cast %add3A_231 : i32 to index
        %swap3A_233 = tpu.vector_load %arg9[%swap3A_232] {strides = array<i32>} : memref<1024xf32, #tpu.memory_space<vmem>>, vector<16xf32>,
        tpu.vector_store %arg9[%swap3A_232], %add3A_227 {strides = array<i32>} : memref<1024xf32, #tpu.memory_space<vmem>>, vector<16xf32>,
        %div3A_234 = arith.divf %cond3A_194#3, %max3A_200 : vector<16xf32>
        %jit3A_235 = arith.constant 0.000000e+00 : f32
        %broadcast_in_dim3A_236 = vector.broadcast %jit3A_235 : f32 to vector<16xf32>
        %select_n3A_237 = arith.select %gt3A_198, %cond3A_194#11, %broadcast_in_dim3A_236 : vector<16xi1>, vector<16xf32>
        %add3A_238 = arith.addf %div3A_234, %select_n3A_237 : vector<16xf32>
        %mul3A_239 = arith.constant 128 : i32
        %mul3A_240 = arith.muli %scan3A_122, %mul3A_239 : i32
        %add3A_241 = arith.constant 48 : i32
        %add3A_242 = arith.addi %mul3A_240, %add3A_241 : i32
        %swap3A_243 = arith.index_cast %add3A_242 : i32 to index
        %swap3A_244 = tpu.vector_load %arg9[%swap3A_243] {strides = array<i32>} : memref<1024xf32, #tpu.memory_space<vmem>>, vector<16xf32>,
        tpu.vector_store %arg9[%swap3A_243], %add3A_238 {strides = array<i32>} : memref<1024xf32, #tpu.memory_space<vmem>>, vector<16xf32>,
        %div3A_245 = arith.divf %cond3A_194#4, %max3A_200 : vector<16xf32>
        %jit3A_246 = arith.constant 0.000000e+00 : f32
        %broadcast_in_dim3A_247 = vector.broadcast %jit3A_246 : f32 to vector<16xf32>
        %select_n3A_248 = arith.select %gt3A_198, %cond3A_194#12, %broadcast_in_dim3A_247 : vector<16xi1>, vector<16xf32>
        %add3A_249 = arith.addf %div3A_245, %select_n3A_248 : vector<16xf32>
        %mul3A_250 = arith.constant 128 : i32
        %mul3A_251 = arith.muli %scan3A_122, %mul3A_250 : i32
        %add3A_252 = arith.constant 64 : i32
        %add3A_253 = arith.addi %mul3A_251, %add3A_252 : i32
        %swap3A_254 = arith.index_cast %add3A_253 : i32 to index
        %swap3A_255 = tpu.vector_load %arg9[%swap3A_254] {strides = array<i32>} : memref<1024xf32, #tpu.memory_space<vmem>>, vector<16xf32>,
        tpu.vector_store %arg9[%swap3A_254], %add3A_249 {strides = array<i32>} : memref<1024xf32, #tpu.memory_space<vmem>>, vector<16xf32>,
        %div3A_256 = arith.divf %cond3A_194#5, %max3A_200 : vector<16xf32>
        %jit3A_257 = arith.constant 0.000000e+00 : f32
        %broadcast_in_dim3A_258 = vector.broadcast %jit3A_257 : f32 to vector<16xf32>
        %select_n3A_259 = arith.select %gt3A_198, %cond3A_194#13, %broadcast_in_dim3A_258 : vector<16xi1>, vector<16xf32>
        %add3A_260 = arith.addf %div3A_256, %select_n3A_259 : vector<16xf32>
        %mul3A_261 = arith.constant 128 : i32
        %mul3A_262 = arith.muli %scan3A_122, %mul3A_261 : i32
        %add3A_263 = arith.constant 80 : i32
        %add3A_264 = arith.addi %mul3A_262, %add3A_263 : i32
        %swap3A_265 = arith.index_cast %add3A_264 : i32 to index
        %swap3A_266 = tpu.vector_load %arg9[%swap3A_265] {strides = array<i32>} : memref<1024xf32, #tpu.memory_space<vmem>>, vector<16xf32>,
        tpu.vector_store %arg9[%swap3A_265], %add3A_260 {strides = array<i32>} : memref<1024xf32, #tpu.memory_space<vmem>>, vector<16xf32>,
        %div3A_267 = arith.divf %cond3A_194#6, %max3A_200 : vector<16xf32>
        %jit3A_268 = arith.constant 0.000000e+00 : f32
        %broadcast_in_dim3A_269 = vector.broadcast %jit3A_268 : f32 to vector<16xf32>
        %select_n3A_270 = arith.select %gt3A_198, %cond3A_194#14, %broadcast_in_dim3A_269 : vector<16xi1>, vector<16xf32>
        %add3A_271 = arith.addf %div3A_267, %select_n3A_270 : vector<16xf32>
        %mul3A_272 = arith.constant 128 : i32
        %mul3A_273 = arith.muli %scan3A_122, %mul3A_272 : i32
        %add3A_274 = arith.constant 96 : i32
        %add3A_275 = arith.addi %mul3A_273, %add3A_274 : i32
        %swap3A_276 = arith.index_cast %add3A_275 : i32 to index
        %swap3A_277 = tpu.vector_load %arg9[%swap3A_276] {strides = array<i32>} : memref<1024xf32, #tpu.memory_space<vmem>>, vector<16xf32>,
        tpu.vector_store %arg9[%swap3A_276], %add3A_271 {strides = array<i32>} : memref<1024xf32, #tpu.memory_space<vmem>>, vector<16xf32>,
        %div3A_278 = arith.divf %cond3A_194#7, %max3A_200 : vector<16xf32>
        %jit3A_279 = arith.constant 0.000000e+00 : f32
        %broadcast_in_dim3A_280 = vector.broadcast %jit3A_279 : f32 to vector<16xf32>
        %select_n3A_281 = arith.select %gt3A_198, %cond3A_194#15, %broadcast_in_dim3A_280 : vector<16xi1>, vector<16xf32>
        %add3A_282 = arith.addf %div3A_278, %select_n3A_281 : vector<16xf32>
        %mul3A_283 = arith.constant 128 : i32
        %mul3A_284 = arith.muli %scan3A_122, %mul3A_283 : i32
        %add3A_285 = arith.constant 112 : i32
        %add3A_286 = arith.addi %mul3A_284, %add3A_285 : i32
        %swap3A_287 = arith.index_cast %add3A_286 : i32 to index
        %swap3A_288 = tpu.vector_load %arg9[%swap3A_287] {strides = array<i32>} : memref<1024xf32, #tpu.memory_space<vmem>>, vector<16xf32>,
        tpu.vector_store %arg9[%swap3A_287], %add3A_282 {strides = array<i32>} : memref<1024xf32, #tpu.memory_space<vmem>>, vector<16xf32>,
        %scan3A_289 = arith.constant 0 : i32
        scf.yield %scan3A_289 : i32
      }
      %scan3A_114 = arith.constant 8 : i32
      %mul3A_115 = arith.constant 8 : i32
      %mul3A_116 = arith.muli %add3A_16, %mul3A_115 : i32
      %mul3A_117 = arith.constant 128 : i32
      %mul3A_118 = arith.muli %mul3A_116, %mul3A_117 : i32
      %dma_start3A = tpu.memref_slice %arg4[%mul3A_118] : memref<131072xf32, #tpu.memory_space<hbm>> -> memref<1024xf32, #tpu.memory_space<hbm>>
      %dma_start3A_119 = tpu.memref_slice %arg4[%mul3A_118] : memref<131072xf32, #tpu.memory_space<hbm>> -> memref<1024xf32, #tpu.memory_space<hbm>>
      tpu.enqueue_dma source(%arg9 : memref<1024xf32, #tpu.memory_space<vmem>>) target(%dma_start3A_119 : memref<1024xf32, #tpu.memory_space<hbm>>) target_semaphore(%arg13 : memref<!tpu.dma_semaphore, #tpu.memory_space<semaphore_mem>>)
      %dma_wait3A = tpu.memref_slice %arg4[%mul3A_118] : memref<131072xf32, #tpu.memory_space<hbm>> -> memref<1024xf32, #tpu.memory_space<hbm>>
      %dma_wait3A_120 = tpu.memref_slice %arg4[%mul3A_118] : memref<131072xf32, #tpu.memory_space<hbm>> -> memref<1024xf32, #tpu.memory_space<hbm>>
      tpu.wait_dma2 semaphore(%arg13 : memref<!tpu.dma_semaphore, #tpu.memory_space<semaphore_mem>>) src(%arg9 : memref<1024xf32, #tpu.memory_space<vmem>>) dst(%dma_wait3A_120 : memref<1024xf32, #tpu.memory_space<hbm>>)
      %scan3A_121 = arith.constant 0 : i32
      scf.yield %scan3A_121 : i32
    }
    %scan3A_11 = arith.constant 4 : i32
    return
  }
}

</mosaic_0001>

<sc_bundles>
// kernel: kernel.3.cloned.1.call-start
scs
__scs_entry_jumppad:
0x0: {  	(pc) =	sbr.rel $0x88, $3  }
0x1: {  	(tag) =	ssettag $0x0;
	lr =	simm.s32 $0x1  }
0x2: {  	[smem:$0x3F9F] =	sst lr;
	_ =	strace $0xD0000000  }
0x3: {  	_ = 	snop  }
0x4: {  	_ = 	snop  }
0x5: {  	_ = 	snop  }
0x6: {  	_ = 	snop  }
0x7: {  	_ = 	snop  }
__scs_overlays_trampoline_lowered:
0x8: {  	[smem:$0x3FAE] =	sst s0  }
0x9: {  	[smem:$0x3FAF] =	sst s1  }
0xa: {  	[smem:$0x3FB0] =	sst s2  }
0xb: {  	[smem:$0x3FB1] =	sst s3  }
0xc: {  	[smem:$0x3FB2] =	sst s4  }
0xd: {  	[smem:$0x3FB3] =	sst s5  }
0xe: {  	[smem:$0x3FB4] =	sst s6  }
0xf: {  	[smem:$0x3FB5] =	sst s7  }
0x10: {  	[smem:$0x3FB6] =	sst s8  }
0x11: {  	[smem:$0x3FB7] =	sst s9;
	s0 =	simm.s32 @!p0 $0x0  }
0x12: {  	s1 =	sld [smem:$0x3F9D];
	s0 =	simm.s32 @p0 $0x1  }
0x13: {  	[smem:$0x3FB8] =	sst s0;
	s0 =	simm.s32 @!p1 $0x0  }
0x14: {  	s2 =	sld [smem:$0x3F9C];
	s0 =	simm.s32 @p1 $0x1  }
0x15: {  	[smem:$0x3FB9] =	sst s0;
	s0 =	simm.s32 @!p2 $0x0  }
0x16: {  	s3 =	sld [smem:$0x3FDB];
	s0 =	simm.s32 @p2 $0x1  }
0x17: {  	s4 =	simm.s32 $0x1BF5;
	[smem:$0x3FBB] =	sst s0  }
0x18: {  	s0 =	sld [smem:$0x3F9E];
	_ =	swait.ge [sflag:s4], $0x0  }
0x19: {  	s7 =	sld [smem:$0x3F9F]  }
0x1a: {  	s8 =	sadd.s32 $0xFFFFE003, lr  }
0x1b: {  	s9 =	sadd.s32 $0xFFFFFEF7, lr;
	s5 =	simm.s32 $0xFFFFFFFF;
	p2 =	slt.u32 s8, $0xFFFFF086  }
0x1c: {  	p1 =	slt.u32 s9, $0xF7A;
	s5 =	simm.s32 @!p2 $0x0  }
0x1d: {  	s5 =	simm.s32 @p1 $0x1;
	p0 =	seq.s32 s7, s2  }
0x1e: {  	s7 =	smul.u32 @!p0 $0xF7A, s2;
	p2 =	seq.s32 @!p0 s5, $0x0  }
0x1f: {  	s9 =	smul.u32 $0xF7A, s1;
	s8 =	simm.s32 @!p0 $0x1BF5;
	p2 =	por !p2, p0  }
0x20: {  	[sflag:s8] =	ssyncset.s32 @!p0 $0xFFFFF086;
	s6 =	sadd.s32 @!p0 s3, s7;
	s7 =	simm.s32 @!p0 $0x108  }
0x21: {  	s3 =	sadd.s32 s3, s9;
	s6 =	sadd.s32 @!p0 $0x88, s6;
	s7 =	simm.s32 @p2 $0x1082  }
0x22: {  	[simem:s7], [sflag:s8] =	dma.local @!p0 [hbm:s6], $0xF7A  }
0x23: {  	s9 =	sor.u32 $0xD0000000, s2;
	s6 =	simm.s32 $0x108;
	_ =	swait.ge @!p0 [sflag:s8], $0x0  }
0x24: {  	s3 =	sadd.s32 $0x88, s3;
	s6 =	simm.s32 @!p1 $0x1082;
	[sflag:s4] =	ssyncset.s32 $0xFFFFF086  }
0x25: {  	[simem:s6], [sflag:s4] =	dma.local [hbm:s3], $0xF7A  }
0x26: {  	[smem:$0x3F9F] =	sst s1;
	(tag) =	ssettag s2;
	_ =	strace s9  }
0x27: {  	s1 =	sld [smem:$0x3FAF]  }
0x28: {  	s2 =	sld [smem:$0x3FB0]  }
0x29: {  	s4 =	sld [smem:$0x3FB2]  }
0x2a: {  	p0 =	seq.s32 s5, $0x0;
	s5 =	sld [smem:$0x3FB3]  }
0x2b: {  	s6 =	sld [smem:$0x3FB4]  }
0x2c: {  	s7 =	sld [smem:$0x3FB5]  }
0x2d: {  	s3 =	simm.s32 $0x108;
	s8 =	sld [smem:$0x3FB6]  }
0x2e: {  	s3 =	simm.s32 @!p0 $0x1082;
	s9 =	sld [smem:$0x3FB7]  }
0x2f: {  	lr =	sadd.s32 s0, s3;
	s0 =	sld [smem:$0x3FAE]  }
0x30: {  	s3 =	sld [smem:$0x3FB1]  }
0x31: {  	[smem:$0x3FBA] =	sst s10  }
0x32: {  	s10 =	sld [smem:$0x3FB8];
	_ =	sdelay $0x3  }
0x33: {  	p0 =	seq.s32 s10, $0x1;
	s10 =	sld [smem:$0x3FBA];
	_ =	sdelay $0x3  }
0x34: {  	[smem:$0x3FBA] =	sst s10  }
0x35: {  	s10 =	sld [smem:$0x3FB9];
	_ =	sdelay $0x3  }
0x36: {  	p1 =	seq.s32 s10, $0x1;
	s10 =	sld [smem:$0x3FBA];
	_ =	sdelay $0x3  }
0x37: {  	[smem:$0x3FBA] =	sst s10  }
0x38: {  	s10 =	sld [smem:$0x3FBB]  }
0x39: {  	_ = 	snop;
	(pc) =	sbr.ind lr, $3  }
0x3a: {  	_ = 	snop  }
0x3b: {  	_ = 	snop  }
0x3c: {  	p2 =	seq.s32 s10, $0x1;
	s10 =	sld [smem:$0x3FBA]  }
0x3d: {  	_ =	shalt  }
0x3e: {  	_ =	shalt  }
0x3f: {  	_ =	shalt  }
0x40: {  	_ =	shalt  }
0x41: {  	_ =	shalt  }
0x42: {  	_ =	shalt  }
0x43: {  	_ =	shalt  }
0x44: {  	_ =	shalt  }
0x45: {  	_ =	shalt  }
0x46: {  	_ =	shalt  }
0x47: {  	_ =	shalt  }
0x48: {  	_ =	shalt  }
0x49: {  	_ =	shalt  }
0x4a: {  	_ =	shalt  }
0x4b: {  	_ =	shalt  }
0x4c: {  	_ =	shalt  }
0x4d: {  	_ =	shalt  }
0x4e: {  	_ =	shalt  }
0x4f: {  	_ =	shalt  }
0x50: {  	_ =	shalt  }
0x51: {  	_ =	shalt  }
0x52: {  	_ =	shalt  }
0x53: {  	_ =	shalt  }
0x54: {  	_ =	shalt  }
0x55: {  	_ =	shalt  }
0x56: {  	_ =	shalt  }
0x57: {  	_ =	shalt  }
0x58: {  	_ =	shalt  }
0x59: {  	_ =	shalt  }
0x5a: {  	_ =	shalt  }
0x5b: {  	_ =	shalt  }
0x5c: {  	_ =	shalt  }
0x5d: {  	_ =	shalt  }
0x5e: {  	_ =	shalt  }
0x5f: {  	_ =	shalt  }
0x60: {  	_ =	shalt  }
0x61: {  	_ =	shalt  }
0x62: {  	_ =	shalt  }
0x63: {  	_ =	shalt  }
0x64: {  	_ =	shalt  }
0x65: {  	_ =	shalt  }
0x66: {  	_ =	shalt  }
0x67: {  	_ =	shalt  }
0x68: {  	_ =	shalt  }
0x69: {  	_ =	shalt  }
0x6a: {  	_ =	shalt  }
0x6b: {  	_ =	shalt  }
0x6c: {  	_ =	shalt  }
0x6d: {  	_ =	shalt  }
0x6e: {  	_ =	shalt  }
0x6f: {  	_ =	shalt  }
0x70: {  	_ =	shalt  }
0x71: {  	_ =	shalt  }
0x72: {  	_ =	shalt  }
0x73: {  	_ =	shalt  }
0x74: {  	_ =	shalt  }
0x75: {  	_ =	shalt  }
0x76: {  	_ =	shalt  }
0x77: {  	_ =	shalt  }
0x78: {  	_ =	shalt  }
0x79: {  	_ =	shalt  }
0x7a: {  	_ =	shalt  }
0x7b: {  	_ =	shalt  }
0x7c: {  	_ =	shalt  }
0x7d: {  	_ =	shalt  }
0x7e: {  	_ =	shalt  }
0x7f: {  	_ =	shalt  }
0x80: {  	_ =	shalt  }
0x81: {  	_ =	shalt  }
0x82: {  	_ =	shalt  }
0x83: {  	_ =	shalt  }
0x84: {  	_ =	shalt  }
0x85: {  	_ =	shalt  }
0x86: {  	_ =	shalt  }
0x87: {  	_ =	shalt  }
.Lfunc_end0:
.L_simem_size_0:
called_computation_lowered:
.L_overlay_start_0:
0x88: {  	s2 =	sld [smem:$0x3FD9]  }
0x89: {  	s3 =	sld [smem:$0x3FFE];
	_ =	sdelay $0x1  }
0x8a: {  	s1 =	srdreg.scid  }
0x8b: {  	s0 =	sand.u32 $0x1, s1  }
0x8c: {  	s17 =	sshll.u32 s0, $0xA;
	s2 =	sadd.s32 s3, s2  }
0x8d: {  	s2 =	sadd.s32 s2, s17  }
0x8e: {  	[smem:$0x3FC6] =	sst s2  }
0x8f: {  	_ = 	snop  }
0x90: {  	s2 =	sld [smem:$0x3FD0];
	(tm) =	ssettm $0x1  }
0x91: {  	s18 =	sld [smem:$0x3FFB];
	_ =	sdelay $0x3  }
0x92: {  	_ =	strace s18  }
0x93: {  	s3 =	sld [smem:$0x3FFC];
	_ =	sdelay $0x3  }
0x94: {  	_ =	strace s3  }
0x95: {  	s3 =	sld [smem:$0x3FFD];
	_ =	sdelay $0x3  }
0x96: {  	_ =	strace s3  }
0x97: {  	_ =	strace $0x8FFFFFFF  }
0x98: {  	s19 =	sld [smem:$0x3FDB];
	_ =	sdelay $0x1  }
0x99: {  	s4 =	simm.s32 $_scs_section_size  }
0x9a: {  	s5 =	simm.s32 $_size__tile_overlayer_lowered;
	s6 =	simm.s32 $_tile_overlayer_lowered  }
0x9b: {  	s22 =	simm.s32 $0x1BFF;
	s21 =	sshll.u32 s6, $0x1;
	s3 =	sadd.s32 s4, s19  }
0x9c: {  	s7 =	simm.s32 $0x0;
	s20 =	sshll.u32 s5, $0x1;
	s5 =	sadd.s32 s21, s3  }
0x9d: {  	[timem:s7], [sflag:s22] =	dma.local [hbm:s5], s20  }
0x9e: {  	_ =	swait.ge [sflag:s22], s20  }
0x9f: {  	s4 =	ssub.s32 $0x0, s20;
	[sflag:s22] =	ssyncset.done $0x0  }
0xa0: {  	[sflag:s22] =	ssyncadd.s32 s4;
	_ =	sdelay $0x1  }
0xa1: {  	s23 =	simm.s32 $0x1B8B  }
0xa2: {  	_ =	swait.ge [sflag:s23], $0x1  }
0xa3: {  	[sflag:s23] =	ssyncset.done $0x0  }
0xa4: {  	s25 =	simm.s32 $0x1B8E;
	s24 =	sld [smem:$0x3FFE];
	[sflag:s23] =	ssyncadd.s32 $0xFFFFFFFF  }
0xa5: {  	s26 =	simm.s32 $execute0_lowered;
	[smem:$0x3FD2] =	sst s25  }
0xa6: {  	s5 =	sshll.u32 s26, $0x1;
	_ =	strace $0x80000046;
	[dreg:$0x1] =	wrdreg $0xFFFFFFFF  }
0xa7: {  	s28 =	simm.s32 $_size_execute0_lowered;
	s3 =	sadd.s32 s3, s5;
	[dreg:$0x0] =	wrdreg $0x0  }
0xa8: {  	s5 =	sshll.u32 s28, $0x1;
	[dreg:$0x2] =	wrdreg s3  }
0xa9: {  	[dreg:$0x3] =	wrdreg s5  }
0xaa: {  	[dreg:$0x4] =	wrdreg $0xC0  }
0xab: {  	_ =	task [dreg:s7], $0x5FFFF  }
0xac: {  	[dreg:$0x1] =	wrdreg $0xFFFFFFFF  }
0xad: {  	[dreg:$0x0] =	wrdreg $0x60  }
0xae: {  	[dreg:$0x2] =	wrdreg s24  }
0xaf: {  	[dreg:$0x3] =	wrdreg s2  }
0xb0: {  	[dreg:$0x4] =	wrdreg $0x9  }
0xb1: {  	_ =	task.clear_ibuf [dreg:s7], $0x5FFFF;
	_ =	strace $0x90000046  }
0xb2: {  	s29 =	simm.s32 $0x9;
	_ =	strace $0x80000048  }
0xb3: {  	_ =	swait.ge [sflag:s29], $0x1  }
0xb4: {  	[sflag:s29] =	ssyncadd.s32 $0xFFFFFFFF  }
0xb5: {  	_ =	strace $0x90000048  }
0xb6: {  	_ =	sfence  }
0xb7: {  	s30 =	sld [smem:$0x0];
	_ =	sdelay $0x2  }
0xb8: {  	s31 =	sshll.u32 s1, $0xD;
	s1 =	sshrl.u32 s1, $0x2  }
0xb9: {  	s3 =	sand.u32 $0x4000, s31;
	s1 =	sadd.s32 s1, s30  }
0xba: {  	s0 =	sor.u32 s3, s0;
	s1 =	sshll.u32 s1, $0x11  }
0xbb: {  	s0 =	sor.u32 s1, s0  }
0xbc: {  	s0 =	sadd.s32 $0x8F2B, s0  }
0xbd: {  	[sflag:s0] =	ssyncadd.remote.s32 $0x1  }
0xbe: {  	_ =	sfence.sel $0xFFFF  }
0xbf: {  	[dreg:$0x0] =	wrdreg $0xFFFFFFFF;
	(pc) =	sbr.abs _section_cstart, $3  }
0xc0: {  	[dreg:$0x1] =	wrdreg $0xFFFFFFFF  }
0xc1: {  	_ =	task.clear_ibuf [dreg:s7], $0x2FFFF;
	_ =	strace $0x9FFFFFFF  }
0xc2: {  	(tm) =	ssettm $0x7FFFFFFF  }
0xc3: {  	_ =	shalt  }
tec
execute0_lowered:
.L_overlay_start_1:
0x0: {  	(tag) =	ssettag $0x1  }
0x1: {  	s4 =	rddreg [dreg:$0x0]  }
0x2: {  	s1 =	rddreg [dreg:$0x1]  }
0x3: {  	s0 =	rddreg [dreg:$0x2]  }
0x4: {  	s3 =	simm.s32 $0x0;
	s5 =	srdreg.scid;
	s2 =	stileid.u32  }
0x5: {  	s10 =	simm.s32 $0x800;
	s11 =	simm.s32 $0x1;
	s12 =	simm.s32 $0xC900  }
0x6: {  	s13 =	simm.s32 $0x0;
	[smem:$0x7FF] =	sst s3;
	s5 =	sand.u32 $0x1, s5  }
.Ltmp0:
0x7: {  	s6 =	sshll.u32 s2, $0xB;
	s9 =	sshll.u32 s2, $0x3;
	(pc) =	sbr.rel .LBB2_1-.Ltmp0, $4  }
0x8: {  	_ =	strace $0x80000047;
	s7 =	ssub.s32 $0x2, s5;
	s5 =	sshll.u32 s5, $0x2  }
0x9: {  	s6 =	sadd.s32 s6, s4;
	s8 =	sshrl.u32 s7, $0x1;
	s4 =	sor.u32 s5, s9  }
0xa: {  	v0 =	vlaneseq.u32;
	s5 =	sadd.s32 $0x400, s6;
	s9 =	simm.s32 $0x2;
	s7 =	ssub.s32 s7, s8  }
0xb: {  	v1 =	vimm.s32 $0x0;
	v2 =	vor.u32 $0x4080, v0;
	s8 =	simm.s32 $0x400;
	s6 =	smax.u32 s7, $0x1;
	s7 =	simm.s32 $0x80  }
.LBB2_35:
0xc: {  	s13 =	sadd.s32 $0x1, s13  }
0xd: {  	p0 =	sne.s32 s13, s6  }
.Ltmp1:
0xe: {  	_ = 	snop;
	(pc) =	sbr.rel @!p0 .LBB2_36-.Ltmp1, $1  }
0xf: {  	_ =	sdelay $0x3  }
.LBB2_1:
0x10: {  	s14 =	simm.s32 $0x820  }
0x11: {  	[tilespmem:s14+$0xFFFFFFE0] =	vst v1  }
0x12: {  	[tilespmem:s14+$0x10] =	vst v1  }
0x13: {  	s15 =	simm.s32 $0x0;
	[tilespmem:s14+$0x0] =	vst v1  }
.LBB2_2:
0x14: {  	s15 =	sadd.s32 $0x4, s15  }
0x15: {  	[tilespmem:s14+$0xFFFFFFF0] =	vst v1;
	s14 =	sadd.s32 $0x40, s14;
	p0 =	slt.u32 s15, $0x404  }
.Ltmp2:
0x16: {  	[tilespmem:s14+$0xFFFFFFE0] =	vst v1;
	(pc) =	sbr.rel @p0 .LBB2_2-.Ltmp2, $3  }
0x17: {  	_ =	sdelay $0x1  }
0x18: {  	[tilespmem:s14+$0x10] =	vst v1  }
0x19: {  	[tilespmem:s14+$0x0] =	vst v1  }
.Ltmp3:
0x1a: {  	(pc) =	sbr.rel .LBB2_4-.Ltmp3, $3  }
0x1b: {  	_ =	sdelay $0x1  }
0x1c: {  	[tilespmem:s14+$0xFFFFFFF0] =	vst v1  }
0x1d: {  	s14 =	simm.s32 $0x0;
	[tilespmem:$0x4880] =	vst v1  }
.LBB2_34:
0x1e: {  	s14 =	sadd.s32 $0x1, s14  }
0x1f: {  	s15 =	sshll.u32 s15, $0x7;
	p0 =	sne.s32 s14, $0x4  }
.Ltmp4:
0x20: {  	s15 =	sadd.s32 s1, s15;
	(pc) =	sbr.rel @!p0 .LBB2_35-.Ltmp4, $4  }
0x21: {  	[hbm4b:s15+s3] =	stream.linear.scatter [tilespmem:s12], [sflag:$0x1], $0x400, $0x38;
	[tilespmem:$0xCD00] =	vst v63  }
0x22: {  	_ =	swait.ge [sflag:s11], $0x400  }
0x23: {  	[sflag:s11] =	ssyncset.done $0x0  }
0x24: {  	[sflag:s11] =	ssyncadd.s32 $0xFFFFFC00  }
.LBB2_4:
0x25: {  	s15 =	sadd.s32 s4, s14  }
0x26: {  	s16 =	sshll.u32 s15, $0x4  }
0x27: {  	s16 =	sand.u32 $0x70, s16  }
0x28: {  	s16 =	sadd.s32 s16, s5  }
0x29: {  	[tilespmem:s3], [sflag:$0x2] =	stream.strided.gather [hbm4b:s16+s7], $0x800, s8, s7, $0x38;
	[tilespmem:$0xCD00] =	vst v63  }
0x2a: {  	_ =	swait.ge [sflag:s9], $0x800  }
0x2b: {  	[sflag:s9] =	ssyncset.done $0x0  }
0x2c: {  	s17 =	simm.s32 $0x10;
	[sflag:s9] =	ssyncadd.s32 $0xFFFFF800  }
0x2d: {  	v3 =	vld [tilespmem:s17+$0xFFFFFFF0];
	_ =	sdelay $0x4  }
0x2e: {  	vm2 =	veq.s32 v3, $0x0  }
0x2f: {  	v4 =	vsel vm2, $0x1, v1  }
0x30: {  	(xrf0) =	vadd.scan.msk.s32 $0xffff, v4;
	_ =	sdelay $0x1  }
0x31: {  	s16 =	simm.s32 $0x30;
	vm8 =	veq.s32 v3, $0x1  }
0x32: {  	v32 =	vld [tilespmem:s16+$0xFFFFFFF0];
	v5 =	vsel vm8, $0x1, v1  }
0x33: {  	vm4 =	veq.s32 v3, $0x2;
	vm5 =	veq.s32 v3, $0x3;
	vm6 =	veq.s32 v3, $0x4;
	(xrf0) =	vadd.scan.msk.s32 $0xffff, v5  }
0x34: {  	vm7 =	veq.s32 v3, $0x5;
	v6 =	vsel vm4, $0x1, v1;
	v9 =	vmpcnt.ones.xlane vm2  }
0x35: {  	v11 =	vmpcnt.ones.xlane vm8;
	v5 =	vimm.s32 $0x0;
	(xrf0) =	vadd.scan.msk.s32 $0xffff, v6;
	v6 =	vsel vm5, $0x1, v1;
	v7, _, _ =	vpop (xrf0)  }
0x36: {  	v12 =	vmpcnt.ones.xlane vm4;
	v4 =	vld [tilespmem:s17+$0x0];
	(xrf0) =	vadd.scan.msk.s32 $0xffff, v6;
	v6 =	vadd.s32 v7, v5;
	v7 =	vsel vm6, $0x1, v1  }
0x37: {  	vm10 =	veq.s32 v32, $0x1;
	v14 =	vmpcnt.ones.xlane vm5;
	v22 =	vmpcnt.ones.xlane vm6  }
0x38: {  	v25 =	vmpcnt.ones.xlane vm7;
	v38 =	vmpcnt.ones.xlane vm10;
	v28 =	vadd.s32 v5, v9  }
0x39: {  	v29 =	vadd.s32 v5, v11;
	v30 =	vadd.s32 v5, v14;
	v6 =	vadd.s32 $0xFFFFFFFF, v6;
	(xrf0) =	vadd.scan.msk.s32 $0xffff, v7;
	v7, _, _ =	vpop (xrf0)  }
0x3a: {  	v8 =	vsel vm2, v6, v2;
	v6 =	vsel vm7, $0x1, v1;
	v7 =	vadd.s32 v7, v5  }
0x3b: {  	v22 =	vadd.s32 v5, v22;
	vm3 =	veq.s32 v4, $0x0;
	v10, _, _ =	vpop (xrf0);
	(xrf0) =	vadd.scan.msk.s32 $0xffff, v6;
	v6 =	vadd.s32 $0x80F, v7  }
0x3c: {  	v7 =	vadd.s32 v10, v5;
	v16 =	vsel vm8, v6, v2;
	vm8 =	veq.s32 v3, $0x6  }
0x3d: {  	vm1 =	veq.s32 v4, $0x1;
	v6 =	vadd.s32 $0x101F, v7;
	v7 =	vsel vm8, $0x1, v1  }
0x3e: {  	vm0 =	veq.s32 v4, $0x2;
	vm9 =	veq.s32 v4, $0x7;
	vm2 =	veq.s32 v4, $0x3;
	(xrf0) =	vadd.scan.msk.s32 $0xffff, v7  }
0x3f: {  	v26 =	vmpcnt.ones.xlane vm9;
	v14 =	vsel vm1, $0x1, v1;
	v21 =	vmpcnt.ones.xlane vm2;
	v13, _, _ =	vpop (xrf0)  }
0x40: {  	v10 =	vsel vm4, v6, v2;
	vm4 =	veq.s32 v4, $0x4;
	v7 =	vadd.s32 v13, v5  }
0x41: {  	v6 =	vmpcnt.ones.xlane vm3;
	v15, _, _ =	vpop (xrf0);
	v27 =	vmpcnt.ones.xlane vm8;
	v7 =	vadd.s32 $0x182F, v7  }
0x42: {  	v13 =	vmpcnt.ones.xlane vm1;
	v17 =	vsel vm5, v7, v2;
	v7 =	vadd.s32 v15, v5;
	v18, _, _ =	vpop (xrf0)  }
0x43: {  	v23 =	vmpcnt.ones.xlane vm4;
	v7 =	vadd.s32 $0x203F, v7;
	v19 =	vadd.s32 v18, v5  }
0x44: {  	v9 =	vadd.s32 v28, v6;
	v18 =	vsel vm6, v7, v2;
	v7 =	vadd.s32 $0x284F, v19;
	v20, _, _ =	vpop (xrf0)  }
0x45: {  	v6 =	vadd.s32 v5, v12;
	v19 =	vsel vm7, v7, v2;
	v7 =	vadd.s32 v20, v5  }
0x46: {  	vm5 =	veq.s32 v4, $0x5;
	v15 =	vmpcnt.ones.xlane vm0;
	v7 =	vadd.s32 $0x305F, v7  }
0x47: {  	v24 =	vmpcnt.ones.xlane vm5;
	v20 =	vsel vm8, v7, v2;
	vm8 =	veq.s32 v3, $0x7  }
0x48: {  	vm6 =	veq.s32 v4, $0x6;
	v12 =	vadd.s32 v6, v15;
	v11 =	vsel vm8, $0x1, v1  }
0x49: {  	v15 =	vsel vm0, $0x1, v1;
	v7 =	vadd.s32 v29, v13;
	v13 =	vsel vm3, $0x1, v1;
	(xrf0) =	vadd.scan.msk.s32 $0xffff, v11  }
0x4a: {  	v4 =	vmpcnt.ones.xlane vm6;
	vm7 =	vmmov vm5;
	v3 =	vmpcnt.ones.xlane vm8;
	(xrf0) =	vadd.scan.msk.s32 $0xffff, v13  }
0x4b: {  	v11 =	vadd.s32 v30, v21;
	v21 =	vadd.s32 v5, v25;
	v13 =	vadd.s32 v22, v23  }
0x4c: {  	v23 =	vadd.s32 v5, v27;
	v25 =	vadd.s32 v5, v3;
	v3 =	vsel vm2, $0x1, v1;
	(xrf0) =	vadd.scan.msk.s32 $0xffff, v14  }
0x4d: {  	v14 =	vadd.s32 v23, v4;
	v27 =	vadd.s32 v25, v26;
	v4 =	vsel vm5, $0x1, v1;
	(xrf0) =	vadd.scan.msk.s32 $0xffff, v15  }
0x4e: {  	v26 =	vsel vm9, $0x1, v1;
	vm5 =	vmmov vm9;
	(xrf0) =	vadd.scan.msk.s32 $0xffff, v3;
	v3 =	vsel vm4, $0x1, v1  }
0x4f: {  	vm9 =	veq.s32 v32, $0x0;
	v15 =	vadd.s32 v21, v24;
	v24 =	vsel vm6, $0x1, v1;
	(xrf0) =	vadd.scan.msk.s32 $0xffff, v3;
	v31, _, _ =	vpop (xrf0)  }
0x50: {  	vm6 =	vmmov vm6;
	v37 =	vmpcnt.ones.xlane vm9;
	(xrf0) =	vadd.scan.msk.s32 $0xffff, v4;
	v4 =	vadd.s32 v31, v5;
	v5, _, _ =	vpop (xrf0)  }
0x51: {  	v3 =	vor.u32 s17, v0;
	v4 =	vadd.s32 $0x386F, v4;
	v5 =	vadd.s32 v5, v28  }
0x52: {  	s18 =	simm.s32 $0x0;
	v60 =	vadd.s32 v9, v37;
	(xrf0) =	vadd.scan.msk.s32 $0xffff, v24;
	v28, _, _ =	vpop (xrf0);
	v33 =	vsel vm8, v4, v2;
	v4 =	vadd.s32 $0xFFFFFFFF, v5  }
0x53: {  	v31 =	vor.u32 s18, v0;
	v5 =	vadd.s32 v28, v29;
	v24, _, _ =	vpop (xrf0);
	v34 =	vsel vm3, v4, v2  }
0x54: {  	v4 =	vadd.s32 $0x80F, v5;
	v5 =	vadd.s32 v24, v6;
	v6, _, _ =	vpop (xrf0);
	v24 =	vsel vm9, $0x1, v1  }
0x55: {  	(xrf0) =	vadd.scan.msk.s32 $0xffff, v26;
	v35 =	vsel vm1, v4, v2;
	v4 =	vadd.s32 v6, v30;
	v5 =	vadd.s32 $0x101F, v5;
	v6, _, _ =	vpop (xrf0)  }
0x56: {  	[tilespmem:v8+s10+$0x0] =	vst.idx.msk $0xffff, v31;
	v4 =	vadd.s32 $0x182F, v4;
	v36 =	vsel vm0, v5, v2;
	v5 =	vadd.s32 v6, v22  }
0x57: {  	[tilespmem:v16+s10+$0x0] =	vst.idx.msk $0xffff, v31;
	v30 =	vld [tilespmem:s16+$0x0];
	(xrf0) =	vadd.scan.msk.s32 $0xffff, v24;
	v6, _, _ =	vpop (xrf0);
	v22 =	vsel vm2, v4, v2;
	v4 =	vadd.s32 $0x203F, v5  }
0x58: {  	[tilespmem:v10+s10+$0x0] =	vst.idx.msk $0xffff, v31;
	v5 =	vadd.s32 v6, v21;
	v6, _, _ =	vpop (xrf0);
	v21 =	vsel vm4, v4, v2;
	vm4 =	veq.s32 v32, $0x2  }
0x59: {  	vm8 =	veq.s32 v32, $0x3;
	[tilespmem:v17+s10+$0x0] =	vst.idx.msk $0xffff, v31;
	v6 =	vadd.s32 v6, v23;
	v23 =	vsel vm4, $0x1, v1  }
0x5a: {  	v40 =	vmpcnt.ones.xlane vm8;
	[tilespmem:v18+s10+$0x0] =	vst.idx.msk $0xffff, v31;
	v4 =	vsel vm10, $0x1, v1;
	v5 =	vadd.s32 $0x284F, v5  }
0x5b: {  	(xrf0) =	vadd.scan.msk.s32 $0xffff, v4;
	v5 =	vsel vm7, v5, v2;
	v4 =	vadd.s32 $0x305F, v6;
	v6 =	vsel vm8, $0x1, v1  }
0x5c: {  	vm7 =	veq.s32 v32, $0x5;
	v16 =	vmpcnt.ones.xlane vm4;
	vm1 =	veq.s32 v30, $0x1;
	(xrf0) =	vadd.scan.msk.s32 $0xffff, v23;
	v23, _, _ =	vpop (xrf0)  }
0x5d: {  	[tilespmem:v19+s10+$0x0] =	vst.idx.msk $0xffff, v31;
	vm0 =	veq.s32 v30, $0x2;
	v4 =	vsel vm6, v4, v2;
	vm6 =	veq.s32 v32, $0x4;
	v24, _, _ =	vpop (xrf0)  }
0x5e: {  	(xrf0) =	vadd.scan.msk.s32 $0xffff, v6;
	v6 =	vadd.s32 v23, v25;
	v23 =	vadd.s32 v24, v9;
	v24 =	vsel vm6, $0x1, v1  }
0x5f: {  	[tilespmem:v34+s10+$0x0] =	vst.idx.msk $0xffff, v3;
	vm2 =	veq.s32 v30, $0x3;
	v57 =	vmpcnt.ones.xlane vm7;
	v39 =	vmpcnt.ones.xlane vm1  }
0x60: {  	vm3 =	veq.s32 v30, $0x0;
	[tilespmem:v35+s10+$0x0] =	vst.idx.msk $0xffff, v3;
	v17 =	vmpcnt.ones.xlane vm0;
	v18 =	vmpcnt.ones.xlane vm2  }
0x61: {  	v19 =	vmpcnt.ones.xlane vm6;
	v25 =	vsel vm7, $0x1, v1;
	v23 =	vadd.s32 $0xFFFFFFFF, v23;
	(xrf0) =	vadd.scan.msk.s32 $0xffff, v24;
	v24, _, _ =	vpop (xrf0)  }
0x62: {  	[tilespmem:v36+s10+$0x0] =	vst.idx.msk $0xffff, v3;
	v23 =	vsel vm9, v23, v2;
	vm9 =	veq.s32 v32, $0x6;
	v26, _, _ =	vpop (xrf0);
	(xrf0) =	vadd.scan.msk.s32 $0xffff, v25  }
0x63: {  	[tilespmem:v22+s10+$0x0] =	vst.idx.msk $0xffff, v3;
	v22 =	vadd.s32 v7, v38;
	v25 =	vadd.s32 v26, v12;
	v26 =	vsel vm9, $0x1, v1  }
0x64: {  	[tilespmem:v21+s10+$0x0] =	vst.idx.msk $0xffff, v3;
	v21 =	vadd.s32 v12, v16;
	v6 =	vadd.s32 $0x386F, v6;
	v28, _, _ =	vpop (xrf0);
	(xrf0) =	vadd.scan.msk.s32 $0xffff, v26  }
0x65: {  	[tilespmem:v20+s10+$0x0] =	vst.idx.msk $0xffff, v31;
	v19 =	vadd.s32 v13, v19;
	v6 =	vsel vm5, v6, v2;
	vm5 =	veq.s32 v30, $0x5  }
0x66: {  	[tilespmem:v33+s10+$0x0] =	vst.idx.msk $0xffff, v31;
	v9 =	vadd.s32 v22, v39;
	v31 =	vmpcnt.ones.xlane vm5;
	v8 =	vadd.s32 $0x101F, v25  }
0x67: {  	v24 =	vadd.s32 v24, v7;
	v26 =	vadd.s32 v28, v11;
	v25 =	vsel vm4, v8, v2;
	v10, _, _ =	vpop (xrf0)  }
0x68: {  	vm4 =	veq.s32 v30, $0x4;
	v8 =	vmpcnt.ones.xlane vm3;
	v10 =	vadd.s32 v10, v13;
	v28, _, _ =	vpop (xrf0)  }
0x69: {  	v26 =	vadd.s32 $0x182F, v26;
	v10 =	vadd.s32 $0x203F, v10;
	v29 =	vadd.s32 v28, v15  }
0x6a: {  	v26 =	vsel vm8, v26, v2;
	v28 =	vsel vm6, v10, v2;
	v10 =	vadd.s32 $0x284F, v29;
	v20, _, _ =	vpop (xrf0)  }
0x6b: {  	vm8 =	veq.s32 v32, $0x7;
	v29 =	vsel vm7, v10, v2;
	v10 =	vadd.s32 v20, v14  }
0x6c: {  	vm6 =	veq.s32 v30, $0x6;
	vm7 =	veq.s32 v30, $0x7;
	v10 =	vadd.s32 $0x305F, v10  }
0x6d: {  	v30 =	vsel vm9, v10, v2;
	v10 =	vadd.s32 v60, v8;
	v8 =	vsel vm8, $0x1, v1  }
0x6e: {  	v42 =	vmpcnt.ones.xlane vm9;
	v24 =	vadd.s32 $0x80F, v24;
	v12 =	vsel vm3, $0x1, v1;
	(xrf0) =	vadd.scan.msk.s32 $0xffff, v8  }
0x6f: {  	v24 =	vsel vm10, v24, v2;
	v20 =	vadd.s32 v11, v40;
	v8 =	vsel vm1, $0x1, v1;
	(xrf0) =	vadd.scan.msk.s32 $0xffff, v12  }
0x70: {  	v11 =	vadd.s32 v20, v18;
	v18 =	vadd.s32 v15, v57;
	v15 =	vsel vm0, $0x1, v1;
	(xrf0) =	vadd.scan.msk.s32 $0xffff, v8  }
0x71: {  	v41 =	vmpcnt.ones.xlane vm4;
	v13 =	vadd.s32 v21, v17;
	v8 =	vsel vm2, $0x1, v1;
	(xrf0) =	vadd.scan.msk.s32 $0xffff, v15  }
0x72: {  	v7 =	vmpcnt.ones.xlane vm8;
	v16 =	vadd.s32 v18, v31;
	v31 =	vsel vm4, $0x1, v1;
	(xrf0) =	vadd.scan.msk.s32 $0xffff, v8  }
0x73: {  	v8 =	vsel vm5, $0x1, v1;
	vm5 =	vmmov vm5;
	(xrf0) =	vadd.scan.msk.s32 $0xffff, v31;
	v31 =	vimm.s32 $0x0  }
0x74: {  	v17 =	vadd.s32 v14, v42;
	v58 =	vmpcnt.ones.xlane vm6;
	v31 =	vsel vm5, $0xFFFFFFFF, v31  }
0x75: {  	v7 =	vadd.s32 v27, v7;
	v61 =	vsel vm6, $0x1, v1;
	v59 =	vmpcnt.ones.xlane vm7  }
0x76: {  	v14 =	vadd.s32 v17, v58;
	v62 =	vsel vm7, $0x1, v1;
	vm7 =	vmmov vm7  }
0x77: {  	v12 =	vadd.s32 v19, v41;
	v15 =	vadd.s32 v7, v59;
	[tilespmem:$0x1FFF0] =	vst v31;
	v31, _, _ =	vpop (xrf0);
	(xrf0) =	vadd.scan.msk.s32 $0xffff, v8  }
0x78: {  	s31 =	simm.s32 $0x20;
	vm5 =	vmmov vm6;
	v8 =	vor.u32 s16, v0;
	v31 =	vadd.s32 v31, v27;
	v63, _, _ =	vpop (xrf0);
	(xrf0) =	vadd.scan.msk.s32 $0xffff, v61  }
0x79: {  	s17 =	simm.s32 $0x2;
	s18 =	simm.s32 $0x30;
	v27 =	vor.u32 s31, v0;
	v31 =	vadd.s32 $0x386F, v31;
	v32 =	vadd.s32 v63, v60;
	v33, _, _ =	vpop (xrf0);
	(xrf0) =	vadd.scan.msk.s32 $0xffff, v62  }
.LBB2_5:
0x7a: {  	v34 =	vimm.s32 $0x0;
	[tilespmem:v23+s10+$0x0] =	vst.idx.msk $0xffff, v27;
	s16 =	sadd.s32 $0x20, s16  }
0x7b: {  	v52 =	vimm.s32 $0x0;
	v35 =	vadd.s32 $0xFFFFFFFF, v32;
	v34 =	vsel vm7, $0xFFFFFFFF, v34;
	v54 =	vld [tilespmem:s16+$0xFFFFFFF0];
	[tilespmem:v24+s10+$0x0] =	vst.idx.msk $0xffff, v27  }
0x7c: {  	v31 =	vsel vm8, v31, v2;
	v22 =	vadd.s32 v33, v22;
	v53, _, _ =	vpop (xrf0);
	v55 =	vsel vm3, v35, v2;
	[tilespmem:$0x1FFD0] =	vst v34  }
0x7d: {  	v22 =	vadd.s32 $0x80F, v22;
	v21 =	vadd.s32 v53, v21;
	v23, _, _ =	vpop (xrf0);
	v34 =	vsel vm5, $0xFFFFFFFF, v52;
	[tilespmem:v25+s10+$0x0] =	vst.idx.msk $0xffff, v27  }
0x7e: {  	v56 =	vld [tilespmem:s16+$0x0];
	v22 =	vsel vm1, v22, v2;
	v21 =	vadd.s32 $0x101F, v21;
	v20 =	vadd.s32 v23, v20;
	v23, _, _ =	vpop (xrf0);
	[tilespmem:v26+s10+$0x0] =	vst.idx.msk $0xffff, v27  }
0x7f: {  	v21 =	vsel vm0, v21, v2;
	v20 =	vadd.s32 $0x182F, v20;
	v19 =	vadd.s32 v23, v19;
	v23, _, _ =	vpop (xrf0);
	[tilespmem:v28+s10+$0x0] =	vst.idx.msk $0xffff, v27  }
0x80: {  	v20 =	vsel vm2, v20, v2;
	v19 =	vadd.s32 $0x203F, v19;
	v18 =	vadd.s32 v23, v18;
	v23, _, _ =	vpop (xrf0);
	[tilespmem:v29+s10+$0x0] =	vst.idx.msk $0xffff, v27  }
0x81: {  	v19 =	vsel vm4, v19, v2;
	v57 =	vadd.s32 $0x284F, v18;
	v36 =	vadd.s32 v23, v17;
	[tilespmem:v30+s10+$0x0] =	vst.idx.msk $0xffff, v27  }
0x82: {  	vm12 =	veq.s32 v54, $0x0;
	vm11 =	veq.s32 v54, $0x1;
	vm10 =	veq.s32 v54, $0x2;
	[tilespmem:v55+s10+$0x0] =	vst.idx.msk $0xffff, v8  }
0x83: {  	vm9 =	veq.s32 v54, $0x3;
	vm3 =	veq.s32 v56, $0x0;
	vm1 =	veq.s32 v56, $0x1;
	[tilespmem:v31+s10+$0x0] =	vst.idx.msk $0xffff, v27  }
0x84: {  	vm0 =	veq.s32 v56, $0x2;
	vm2 =	veq.s32 v56, $0x3;
	vm4 =	veq.s32 v56, $0x4;
	[tilespmem:v22+s10+$0x0] =	vst.idx.msk $0xffff, v8  }
0x85: {  	vm5 =	veq.s32 v56, $0x5;
	vm7 =	veq.s32 v56, $0x6;
	vm6 =	veq.s32 v56, $0x7;
	[tilespmem:v21+s10+$0x0] =	vst.idx.msk $0xffff, v8  }
0x86: {  	vm13 =	veq.s32 v54, $0x4;
	vm14 =	veq.s32 v54, $0x6;
	v17 =	vmpcnt.ones.xlane vm3;
	[tilespmem:v20+s10+$0x0] =	vst.idx.msk $0xffff, v8  }
0x87: {  	vm8 =	veq.s32 v54, $0x7;
	v18 =	vmpcnt.ones.xlane vm1;
	v27 =	vmpcnt.ones.xlane vm0;
	[tilespmem:v19+s10+$0x0] =	vst.idx.msk $0xffff, v8  }
0x88: {  	v31 =	vmpcnt.ones.xlane vm2;
	v21 =	vimm.s32 $0x0;
	v19 =	vmpcnt.ones.xlane vm12;
	[tilespmem:v5+s10+$0x0] =	vst.idx.msk $0xffff, v3  }
0x89: {  	v40 =	vmpcnt.ones.xlane vm6;
	v21 =	vsel vm9, $0xFFFFFFFF, v21;
	v5 =	vmpcnt.ones.xlane vm10;
	[tilespmem:v4+s10+$0x0] =	vst.idx.msk $0xffff, v3  }
0x8a: {  	v4 =	vmpcnt.ones.xlane vm13;
	v33 =	vadd.s32 v10, v19;
	[tilespmem:v6+s10+$0x0] =	vst.idx.msk $0xffff, v3;
	v6 =	vmpcnt.ones.xlane vm14  }
0x8b: {  	v38 =	vmovc v10;
	[tilespmem:$0x1FFE0] =	vst v21;
	v3 =	vmovc v8;
	v8 =	vmpcnt.ones.xlane vm8;
	v21 =	vadd.s32 v13, v5;
	v5 =	vsel vm12, $0x1, v1  }
0x8c: {  	v37, _, _ =	vpop (xrf0);
	v10 =	vadd.s32 v33, v17;
	(xrf0) =	vadd.scan.msk.s32 $0xffff, v5;
	v17 =	vadd.s32 v14, v6;
	v6 =	vsel vm11, $0x1, v1  }
0x8d: {  	v24 =	vmovc v13;
	v19 =	vadd.s32 v12, v4;
	v4 =	vadd.s32 v15, v8;
	v8 =	vsel vm10, $0x1, v1;
	(xrf0) =	vadd.scan.msk.s32 $0xffff, v6  }
0x8e: {  	v30 =	vmovc v15;
	v58 =	vmpcnt.ones.xlane vm4;
	v13 =	vadd.s32 v21, v27;
	v27 =	vsel vm9, $0x1, v1;
	(xrf0) =	vadd.scan.msk.s32 $0xffff, v8  }
0x8f: {  	v39 =	vmpcnt.ones.xlane vm5;
	v15 =	vadd.s32 v4, v40;
	(xrf0) =	vadd.scan.msk.s32 $0xffff, v27;
	v27 =	vadd.s32 v37, v7;
	v7 =	vmovc v4;
	v4 =	vld [tilespmem:$0x1FFF0]  }
0x90: {  	vm15 =	veq.s32 v54, $0x5;
	v59 =	vmpcnt.ones.xlane vm7;
	v41 =	vmpcnt.ones.xlane vm9  }
0x91: {  	v42 =	vmpcnt.ones.xlane vm15;
	v20 =	vmpcnt.ones.xlane vm11  }
0x92: {  	v60 =	vsel vm15, $0x1, v1;
	v61 =	vsel vm14, $0x1, v1;
	v62 =	vsel vm8, $0x1, v1  }
0x93: {  	[tilespmem:$0x1FFC0] =	vst v34;
	v63 =	vsel vm3, $0x1, v1;
	v22 =	vadd.s32 v9, v20;
	v20 =	vadd.s32 v11, v41  }
0x94: {  	v25 =	vmovc v11;
	v26 =	vmovc v12;
	v11 =	vadd.s32 v20, v31;
	v31 =	vsel vm13, $0x1, v1;
	vm9 =	vnez.u8 v4;
	v4 =	vld [tilespmem:$0x1FFC0]  }
0x95: {  	v28 =	vmovc v16;
	v48 =	vsel vm1, $0x1, v1;
	v49 =	vsel vm0, $0x1, v1;
	v43 =	vsel vm2, $0x1, v1;
	(xrf0) =	vadd.scan.msk.s32 $0xffff, v31  }
0x96: {  	v23 =	vmovc v9;
	v29 =	vmovc v14;
	v44 =	vsel vm4, $0x1, v1;
	v45 =	vsel vm5, $0x1, v1;
	v46 =	vsel vm7, $0x1, v1  }
0x97: {  	v47 =	vsel vm6, $0x1, v1;
	v9 =	vadd.s32 v22, v18;
	v18 =	vadd.s32 v16, v42;
	(xrf0) =	vadd.scan.msk.s32 $0xffff, v60;
	v8, _, _ =	vpop (xrf0)  }
0x98: {  	v16 =	vadd.s32 v18, v39;
	v12 =	vadd.s32 v19, v58;
	v6 =	vadd.s32 $0x305F, v36;
	(xrf0) =	vadd.scan.msk.s32 $0xffff, v61;
	v50, _, _ =	vpop (xrf0)  }
0x99: {  	v31 =	vadd.s32 v8, v38;
	(xrf0) =	vadd.scan.msk.s32 $0xffff, v62;
	v51, _, _ =	vpop (xrf0);
	v5 =	vsel vm9, v57, v2;
	vm9 =	vnez.u8 v4  }
0x9a: {  	v31 =	vadd.s32 $0xFFFFFFFF, v31;
	v53, _, _ =	vpop (xrf0);
	v4 =	vsel vm9, v6, v2;
	v6 =	vadd.s32 $0x386F, v27;
	v27 =	vld [tilespmem:$0x1FFD0]  }
0x9b: {  	v14 =	vadd.s32 v17, v59;
	v32 =	vadd.s32 v50, v23;
	(xrf0) =	vadd.scan.msk.s32 $0xffff, v63;
	v23 =	vsel vm12, v31, v2;
	v55, _, _ =	vpop (xrf0)  }
0x9c: {  	v31 =	vadd.s32 $0x80F, v32;
	v52 =	vadd.s32 v51, v24;
	v56 =	vadd.s32 v55, v26;
	v26 =	vld [tilespmem:$0x1FFE0]  }
0x9d: {  	s18 =	sadd.s32 $0x20, s18;
	v24 =	vsel vm11, v31, v2;
	v31 =	vadd.s32 $0x101F, v52;
	v54 =	vadd.s32 v53, v25;
	v57, _, _ =	vpop (xrf0)  }
0x9e: {  	v8 =	vor.u32 s18, v0;
	(xrf0) =	vadd.scan.msk.s32 $0xffff, v48;
	v25 =	vsel vm10, v31, v2;
	v31 =	vadd.s32 $0x182F, v54;
	v59, _, _ =	vpop (xrf0)  }
0x9f: {  	s17 =	sadd.s32 $0x2, s17;
	(xrf0) =	vadd.scan.msk.s32 $0xffff, v49;
	v58 =	vadd.s32 v57, v28;
	v60 =	vadd.s32 v59, v29;
	v61, _, _ =	vpop (xrf0);
	vm9 =	vnez.u8 v27  }
0xa0: {  	p0 =	slt.u32 s17, $0x7E;
	(xrf0) =	vadd.scan.msk.s32 $0xffff, v43;
	v62 =	vadd.s32 v61, v30;
	v6 =	vsel vm9, v6, v2;
	vm9 =	vmmov vm5  }
.Ltmp5:
0xa1: {  	(xrf0) =	vadd.scan.msk.s32 $0xffff, v44;
	v63, _, _ =	vpop (xrf0);
	vm5 =	vmmov vm7;
	vm7 =	vmmov vm6;
	vm6 =	vnez.u8 v26;
	(pc) =	sbr.rel @p0 .LBB2_5-.Ltmp5, $4  }
0xa2: {  	(xrf0) =	vadd.scan.msk.s32 $0xffff, v45;
	v32 =	vadd.s32 v63, v33;
	v26 =	vsel vm6, v31, v2;
	v31 =	vadd.s32 $0x203F, v56  }
0xa3: {  	(xrf0) =	vadd.scan.msk.s32 $0xffff, v46;
	v27 =	vimm.s32 $0x0;
	v28 =	vsel vm13, v31, v2;
	v31 =	vadd.s32 $0x284F, v58  }
0xa4: {  	s19 =	sadd.s32 $0xFFFFFFF0, s18;
	v33, _, _ =	vpop (xrf0);
	(xrf0) =	vadd.scan.msk.s32 $0xffff, v47;
	v27 =	vsel vm9, $0xFFFFFFFF, v27;
	v29 =	vsel vm15, v31, v2;
	v31 =	vadd.s32 $0x305F, v60  }
0xa5: {  	[tilespmem:$0x1FFF0] =	vst v27;
	v27 =	vor.u32 s19, v0;
	v30 =	vsel vm14, v31, v2;
	v31 =	vadd.s32 $0x386F, v62  }
0xa6: {  	v10 =	vxor.u32 $0x80000000, v10  }
0xa7: {  	v34, _, _ =	vpop (xrf0);
	v9 =	vxor.u32 $0x80000000, v9;
	(xrf0) =	vmax.scan.msk.u32 $0xffff, v10  }
0xa8: {  	v37 =	vxor.u32 $0x80000000, v13;
	v36, _, _ =	vpop (xrf0);
	(xrf0) =	vmax.scan.msk.u32 $0xffff, v9  }
0xa9: {  	v39 =	vxor.u32 $0x80000000, v11;
	v38, _, _ =	vpop (xrf0);
	(xrf0) =	vmax.scan.msk.u32 $0xffff, v37  }
0xaa: {  	v40, _, _ =	vpop (xrf0);
	(xrf0) =	vmax.scan.msk.u32 $0xffff, v39  }
0xab: {  	v41 =	vxor.u32 $0x80000000, v12;
	v42, _, _ =	vpop (xrf0)  }
0xac: {  	v43 =	vxor.u32 $0x80000000, v16;
	(xrf0) =	vmax.scan.msk.u32 $0xffff, v41;
	v44, _, _ =	vpop (xrf0)  }
0xad: {  	v45 =	vxor.u32 $0x80000000, v14;
	v47 =	vxor.u32 $0x80000000, v15;
	(xrf0) =	vmax.scan.msk.u32 $0xffff, v43;
	v46, _, _ =	vpop (xrf0)  }
0xae: {  	[tilespmem:v23+s10+$0x0] =	vst.idx.msk $0xffff, v27;
	v55 =	vsel vm8, v31, v2;
	(xrf0) =	vmax.scan.msk.u32 $0xffff, v45;
	(v2sf) =	vpush v46, $0xF;
	v48, _, _ =	vpop (xrf0)  }
0xaf: {  	v56 =	vadd.s32 $0xFFFFFFFF, v32;
	[tilespmem:v24+s10+$0x0] =	vst.idx.msk $0xffff, v27;
	(xrf0) =	vmax.scan.msk.u32 $0xffff, v47;
	(v2sf) =	vpush v48, $0xF;
	v49, _, _ =	vpop (xrf0)  }
0xb0: {  	v57 =	vadd.s32 v33, v22;
	v14 =	vsel vm3, v56, v2;
	[tilespmem:v25+s10+$0x0] =	vst.idx.msk $0xffff, v27;
	(v2sf) =	vpush v49, $0xF;
	v50, _, _ =	vpop (xrf0)  }
0xb1: {  	v15 =	vadd.s32 $0x80F, v57;
	v21 =	vadd.s32 v34, v21;
	[tilespmem:v26+s10+$0x0] =	vst.idx.msk $0xffff, v27;
	(v2sf) =	vpush v50, $0xF  }
0xb2: {  	v15 =	vsel vm1, v15, v2;
	v21 =	vadd.s32 $0x101F, v21;
	v10 =	vadd.s32 v36, v20;
	[tilespmem:v28+s10+$0x0] =	vst.idx.msk $0xffff, v27;
	v51, _, _ =	vpop (xrf0)  }
0xb3: {  	v58 =	vsel vm0, v21, v2;
	v10 =	vadd.s32 $0x182F, v10;
	[tilespmem:v29+s10+$0x0] =	vst.idx.msk $0xffff, v27;
	(v2sf) =	vpush v51, $0xF;
	v52, _, _ =	vpop (xrf0)  }
0xb4: {  	v10 =	vsel vm2, v10, v2;
	[tilespmem:v30+s10+$0x0] =	vst.idx.msk $0xffff, v27;
	(v2sf) =	vpush v52, $0xF;
	v53, _, _ =	vpop (xrf0)  }
0xb5: {  	[tilespmem:v14+s10+$0x0] =	vst.idx.msk $0xffff, v8;
	(v2sf) =	vpush v53, $0xF;
	v54, _, _ =	vpop (xrf0)  }
0xb6: {  	[tilespmem:v55+s10+$0x0] =	vst.idx.msk $0xffff, v27;
	(v2sf) =	vpush v54, $0xF  }
0xb7: {  	[tilespmem:v15+s10+$0x0] =	vst.idx.msk $0xffff, v8  }
0xb8: {  	[tilespmem:v58+s10+$0x0] =	vst.idx.msk $0xffff, v8  }
0xb9: {  	[tilespmem:v10+s10+$0x0] =	vst.idx.msk $0xffff, v8  }
0xba: {  	v13 =	vadd.s32 v38, v19;
	v62 =	vld [tilespmem:$0x1FFF0]  }
0xbb: {  	v13 =	vadd.s32 $0x203F, v13  }
0xbc: {  	v13 =	vsel vm4, v13, v2  }
0xbd: {  	s16 =	spop (v2sf)  }
0xbe: {  	v59 =	vadd.s32 v40, v18;
	s17 =	spop (v2sf);
	s16 =	sxor.u32 $0x80000000, s16  }
0xbf: {  	v9 =	vadd.s32 $0x284F, v59;
	v60 =	vadd.s32 v42, v17;
	vm15 =	vnez.u8 v62;
	[smem:$0x0] =	sst s16;
	s24 =	spop (v2sf);
	s17 =	sxor.u32 $0x80000000, s17  }
0xc0: {  	v61 =	vadd.s32 $0x305F, v60;
	v7 =	vadd.s32 v44, v7;
	v9 =	vsel vm15, v9, v2;
	[smem:$0x1] =	sst s17;
	s25 =	spop (v2sf);
	s16 =	sxor.u32 $0x80000000, s24  }
0xc1: {  	v7 =	vadd.s32 $0x386F, v7;
	v10 =	vsel vm5, v61, v2;
	[tilespmem:v13+s10+$0x0] =	vst.idx.msk $0xffff, v8;
	[smem:$0x2] =	sst s16;
	s17 =	sxor.u32 $0x80000000, s25  }
0xc2: {  	v63 =	vsel vm7, v7, v2;
	[tilespmem:v5+s10+$0x0] =	vst.idx.msk $0xffff, v3;
	s26 =	spop (v2sf);
	[smem:$0x3] =	sst s17  }
.Ltmp6:
0xc3: {  	[tilespmem:v4+s10+$0x0] =	vst.idx.msk $0xffff, v3;
	s28 =	spop (v2sf);
	s16 =	sxor.u32 $0x80000000, s26;
	(pc) =	sbr.rel .LBB2_7-.Ltmp6, $4  }
0xc4: {  	[tilespmem:v6+s10+$0x0] =	vst.idx.msk $0xffff, v3;
	[smem:$0x4] =	sst s16;
	s29 =	spop (v2sf);
	s17 =	sxor.u32 $0x80000000, s28  }
0xc5: {  	[tilespmem:v9+s10+$0x0] =	vst.idx.msk $0xffff, v8;
	[smem:$0x5] =	sst s17;
	s16 =	sxor.u32 $0x80000000, s29;
	s30 =	spop (v2sf)  }
0xc6: {  	[tilespmem:v10+s10+$0x0] =	vst.idx.msk $0xffff, v8;
	[smem:$0x6] =	sst s16;
	s31 =	sxor.u32 $0x80000000, s30  }
0xc7: {  	[tilespmem:v63+s10+$0x0] =	vst.idx.msk $0xffff, v8;
	s16 =	simm.s32 $0x0;
	[smem:$0x7] =	sst s31  }
.LBB2_33:
0xc8: {  	v19 =	vmov s17  }
0xc9: {  	v19 =	vcvt.s32.f32 v19;
	_ =	sdelay $0x1  }
0xca: {  	v19 =	vbroadcast v19, $0x0;
	_ =	sdelay $0x1  }
0xcb: {  	v20 =	vmax.f32 v19, $1.000000000e+00  }
0xcc: {  	(erf) = vrcp.f32 v20;
	_ =	sdelay $0x8  }
0xcd: {  	v20 =	vpop (erf)  }
0xce: {  	vm0 =	vgt.f32 v19, $0.0e+00;
	v14 =	vmul.f32 v14, v20  }
0xcf: {  	v10 =	vnsel vm0, $0x0, v10;
	v15 =	vmul.f32 v15, v20  }
0xd0: {  	s31 =	sshll.u32 s16, $0x7;
	v13 =	vnsel vm0, $0x0, v13;
	v60 =	vmul.f32 v17, v20;
	v10 =	vadd.f32 v10, v14  }
0xd1: {  	s17 =	sand.u32 $0x3FFFFF80, s31;
	v8 =	vnsel vm0, $0x0, v8;
	v61 =	vmul.f32 v16, v20;
	v13 =	vadd.f32 v13, v15  }
0xd2: {  	v9 =	vnsel vm0, $0x0, v9;
	v62 =	vmul.f32 v18, v20;
	v8 =	vadd.f32 v8, v60;
	[tilespmem:s17+$0xC900] =	vst v10  }
0xd3: {  	s16 =	sadd.s32 $0x1, s16;
	v6 =	vnsel vm0, $0x0, v6;
	v11 =	vmul.f32 v11, v20;
	v9 =	vadd.f32 v9, v61;
	[tilespmem:s17+$0xC910] =	vst v13  }
0xd4: {  	p0 =	sne.s32 s16, $0x8;
	v5 =	vnsel vm0, $0x0, v5;
	v63 =	vmul.f32 v12, v20;
	v6 =	vadd.f32 v6, v62;
	[tilespmem:s17+$0xC920] =	vst v8  }
.Ltmp7:
0xd5: {  	v3 =	vnsel vm0, $0x0, v3;
	v7 =	vmul.f32 v7, v20;
	v5 =	vadd.f32 v5, v11;
	[tilespmem:s17+$0xC930] =	vst v9;
	(pc) =	sbr.rel @!p0 .LBB2_34-.Ltmp7, $4  }
0xd6: {  	v4 =	vnsel vm0, $0x0, v4;
	v3 =	vadd.f32 v3, v63;
	[tilespmem:s17+$0xC940] =	vst v6  }
0xd7: {  	v4 =	vadd.f32 v4, v7;
	[tilespmem:s17+$0xC950] =	vst v5  }
0xd8: {  	[tilespmem:s17+$0xC960] =	vst v3  }
0xd9: {  	[tilespmem:s17+$0xC970] =	vst v4  }
.LBB2_7:
0xda: {  	s17 =	sld [smem:s16+$0x0];
	_ =	sdelay $0x2  }
0xdb: {  	s18 =	sadd.s32 $0x7F, s17  }
0xdc: {  	s19 =	sand.u32 $0x7F, s18  }
0xdd: {  	s20 =	sshra.s32 s18, $0x1F;
	p0 =	slt.s32 s18, $0x1;
	p1 =	sne.s32 s19, $0x0  }
0xde: {  	s30 =	sshrl.u32 s20, $0x19;
	p0 =	por !p0, !p1  }
0xdf: {  	s19 =	simm.s32 $0x1;
	s18 =	sadd.s32 s30, s18;
	p0 =	por !p0, !p0  }
0xe0: {  	s18 =	sshra.s32 s18, $0x7;
	s19 =	simm.s32 @!p0 $0x0  }
0xe1: {  	s18 =	ssub.s32 s18, s19  }
0xe2: {  	s19 =	sshrl.u32 s18, $0x1F  }
0xe3: {  	s31 =	sadd.s32 s19, s18  }
0xe4: {  	s19 =	sand.u32 $0xFFFFFFFE, s31  }
0xe5: {  	p5 =	slt.s32 s18, $0x1;
	p6 =	sne.s32 s18, s19  }
0xe6: {  	p0 =	por !p5, !p6  }
0xe7: {  	s21 =	simm.s32 $0x1;
	p0 =	por !p0, !p0  }
0xe8: {  	s20 =	sshra.s32 s31, $0x1;
	s21 =	simm.s32 @!p0 $0x0  }
0xe9: {  	s20 =	ssub.s32 s20, s21  }
0xea: {  	p0 =	slt.s32 s20, $0x1  }
.Ltmp8:
0xeb: {  	_ = 	snop;
	(pc) =	sbr.rel @p0 .LBB2_8-.Ltmp8, $1  }
0xec: {  	_ =	sdelay $0x3  }
0xed: {  	v7 =	vimm.f32 $0.0e+00  }
.Ltmp9:
0xee: {  	v4 =	vimm.f32 $-1.000000000e+02;
	v3 =	vimm.f32 $-1.000000000e+02;
	v5 =	vimm.f32 $-1.000000000e+02;
	(pc) =	sbr.rel .LBB2_10-.Ltmp9, $4  }
0xef: {  	v6 =	vimm.f32 $-1.000000000e+02;
	v9 =	vimm.f32 $-1.000000000e+02;
	v8 =	vimm.f32 $-1.000000000e+02  }
0xf0: {  	v13 =	vimm.f32 $-1.000000000e+02;
	v10 =	vimm.f32 $-1.000000000e+02;
	v12 =	vimm.f32 $0.0e+00  }
0xf1: {  	s21 =	sadd.s32 $0xFFFFFF80, s17;
	v11 =	vimm.f32 $0.0e+00;
	v18 =	vimm.f32 $0.0e+00;
	v16 =	vimm.f32 $0.0e+00  }
0xf2: {  	s22 =	simm.s32 $0x0;
	s24 =	smov.u32 s17;
	v17 =	vimm.f32 $0.0e+00;
	v15 =	vimm.f32 $0.0e+00;
	v14 =	vimm.f32 $0.0e+00;
	s23 =	smov.u32 s21  }
.LBB2_24:
0xf3: {  	s22 =	sadd.s32 $0x1, s22  }
0xf4: {  	p0 =	sne.s32 s22, s20  }
.Ltmp10:
0xf5: {  	_ = 	snop;
	(pc) =	sbr.rel @!p0 .LBB2_25-.Ltmp10, $2  }
0xf6: {  	_ =	sdelay $0x2  }
0xf7: {  	s24 =	sadd.s32 $0xFFFFFF00, s24;
	s23 =	sadd.s32 $0xFFFFFF00, s23  }
.LBB2_10:
0xf8: {  	s25 =	sshll.u32 s22, $0x8  }
0xf9: {  	s26 =	ssub.s32 s17, s25  }
0xfa: {  	p0 =	slt.s32 s26, $0x80  }
0xfb: {  	s26 =	simm.s32 @!p0 $0x80  }
0xfc: {  	s28 =	sshrl.u32 s26, $0x1F  }
0xfd: {  	s28 =	sadd.s32 s28, s26  }
0xfe: {  	s28 =	sand.u32 $0xFFFFFFFE, s28  }
0xff: {  	p0 =	slt.s32 s28, $0x1  }
.Ltmp11:
0x100: {  	_ = 	snop;
	(pc) =	sbr.rel @p0 .LBB2_14-.Ltmp11, $1  }
0x101: {  	_ =	sdelay $0x3  }
0x102: {  	s30 =	simm.s32 $0x4980  }
0x103: {  	v23 =	vld [tilespmem:s30+$0x0]  }
0x104: {  	v25 =	vld [tilespmem:s30+$0x10]  }
0x105: {  	v26 =	vld [tilespmem:s30+$0x20]  }
0x106: {  	v27 =	vld [tilespmem:s30+$0x30]  }
0x107: {  	v21 =	vld [tilespmem:s30+$0xFFFFFF80]  }
0x108: {  	v28 =	vld [tilespmem:s30+$0xFFFFFF90]  }
0x109: {  	v29 =	vld [tilespmem:s30+$0xFFFFFFA0]  }
0x10a: {  	v30 =	vld [tilespmem:s30+$0xFFFFFFB0]  }
0x10b: {  	v22 =	vld [tilespmem:s30+$0xFFFFFFC0]  }
0x10c: {  	v19 =	vld [tilespmem:s30+$0x40]  }
0x10d: {  	p0 =	sgt.s32 s28, $0x2;
	v20 =	vld [tilespmem:s30+$0x50];
	v14 =	vadd.f32 v21, v14;
	v15 =	vadd.f32 v28, v15  }
.Ltmp12:
0x10e: {  	v24 =	vld [tilespmem:s30+$0xFFFFFFD0];
	v10 =	vmax.f32 v10, v21;
	v17 =	vadd.f32 v29, v17;
	v13 =	vmax.f32 v13, v28;
	(pc) =	sbr.rel @!p0 .LBB2_13-.Ltmp12, $4  }
0x10f: {  	v21 =	vld [tilespmem:s30+$0xFFFFFFE0];
	v16 =	vadd.f32 v30, v16;
	v8 =	vmax.f32 v8, v29;
	v9 =	vmax.f32 v9, v30  }
0x110: {  	v18 =	vadd.f32 v22, v18;
	v10 =	vmax.f32 v10, v23;
	v14 =	vadd.f32 v23, v14;
	v23 =	vld [tilespmem:s30+$0xFFFFFFF0]  }
0x111: {  	v13 =	vmax.f32 v13, v25;
	v8 =	vmax.f32 v8, v26;
	v15 =	vadd.f32 v25, v15;
	v25 =	vld [tilespmem:s30+$0x60]  }
0x112: {  	s29 =	simm.s32 $0x2;
	v9 =	vmax.f32 v9, v27;
	v17 =	vadd.f32 v26, v17;
	v16 =	vadd.f32 v27, v16;
	v26 =	vld [tilespmem:s30+$0x70];
	s30 =	simm.s32 $0x4A80  }
.LBB2_12:
0x113: {  	v27 =	vld [tilespmem:s30+$0x0];
	v6 =	vmax.f32 v6, v22;
	v11 =	vadd.f32 v24, v11;
	v18 =	vadd.f32 v19, v18  }
0x114: {  	v5 =	vmax.f32 v5, v24;
	v28 =	vld [tilespmem:s30+$0x10];
	v12 =	vadd.f32 v21, v12;
	v6 =	vmax.f32 v6, v19  }
0x115: {  	v5 =	vmax.f32 v5, v20;
	v29 =	vld [tilespmem:s30+$0x20];
	v7 =	vadd.f32 v23, v7;
	v11 =	vadd.f32 v20, v11  }
0x116: {  	v3 =	vmax.f32 v3, v21;
	v4 =	vmax.f32 v4, v23;
	v30 =	vld [tilespmem:s30+$0x30];
	v12 =	vadd.f32 v25, v12  }
0x117: {  	v3 =	vmax.f32 v3, v25;
	v21 =	vld [tilespmem:s30+$0xFFFFFF80];
	v7 =	vadd.f32 v26, v7;
	v4 =	vmax.f32 v4, v26  }
0x118: {  	v23 =	vld [tilespmem:s30+$0xFFFFFF90]  }
0x119: {  	v25 =	vld [tilespmem:s30+$0xFFFFFFA0]  }
0x11a: {  	v19 =	vld [tilespmem:s30+$0x40]  }
0x11b: {  	v26 =	vld [tilespmem:s30+$0xFFFFFFB0]  }
0x11c: {  	s29 =	sadd.s32 $0x2, s29;
	v14 =	vadd.f32 v21, v14;
	v22 =	vld [tilespmem:s30+$0xFFFFFFC0]  }
0x11d: {  	p0 =	slt.s32 s29, s28;
	v15 =	vadd.f32 v23, v15;
	v20 =	vld [tilespmem:s30+$0x50]  }
.Ltmp13:
0x11e: {  	v10 =	vmax.f32 v10, v21;
	v17 =	vadd.f32 v25, v17;
	v24 =	vld [tilespmem:s30+$0xFFFFFFD0];
	v14 =	vadd.f32 v27, v14;
	(pc) =	sbr.rel @p0 .LBB2_12-.Ltmp13, $4  }
0x11f: {  	v13 =	vmax.f32 v13, v23;
	v10 =	vmax.f32 v10, v27;
	v21 =	vld [tilespmem:s30+$0xFFFFFFE0];
	v15 =	vadd.f32 v28, v15  }
0x120: {  	v13 =	vmax.f32 v13, v28;
	v16 =	vadd.f32 v26, v16;
	v23 =	vld [tilespmem:s30+$0xFFFFFFF0];
	v17 =	vadd.f32 v29, v17  }
0x121: {  	v8 =	vmax.f32 v8, v25;
	v9 =	vmax.f32 v9, v26;
	v18 =	vadd.f32 v22, v18;
	v25 =	vld [tilespmem:s30+$0x60]  }
0x122: {  	v8 =	vmax.f32 v8, v29;
	v9 =	vmax.f32 v9, v30;
	v16 =	vadd.f32 v30, v16;
	v26 =	vld [tilespmem:s30+$0x70];
	s30 =	sadd.s32 $0x100, s30  }
.LBB2_13:
0x123: {  	v6 =	vmax.f32 v6, v22;
	v18 =	vadd.f32 v19, v18;
	v5 =	vmax.f32 v5, v24  }
0x124: {  	v11 =	vadd.f32 v24, v11;
	v12 =	vadd.f32 v21, v12;
	v6 =	vmax.f32 v6, v19  }
0x125: {  	v5 =	vmax.f32 v5, v20;
	v3 =	vmax.f32 v3, v21;
	v7 =	vadd.f32 v23, v7  }
0x126: {  	v4 =	vmax.f32 v4, v23;
	v11 =	vadd.f32 v20, v11;
	v12 =	vadd.f32 v25, v12  }
0x127: {  	v3 =	vmax.f32 v3, v25;
	v7 =	vadd.f32 v26, v7;
	v4 =	vmax.f32 v4, v26  }
.LBB2_14:
0x128: {  	p0 =	sge.s32 s28, s26  }
.Ltmp14:
0x129: {  	_ = 	snop;
	(pc) =	sbr.rel @p0 .LBB2_17-.Ltmp14, $1  }
0x12a: {  	_ =	sdelay $0x3  }
0x12b: {  	p0 =	slt.s32 s24, $0x80;
	s29 =	smov.u32 s24  }
0x12c: {  	s26 =	ssub.s32 s26, s28;
	s29 =	simm.s32 @!p0 $0x80  }
0x12d: {  	s31 =	sshll.u32 s26, $0x9;
	s28 =	sshll.u32 s29, $0x9  }
0x12e: {  	s28 =	ssub.s32 s28, s31  }
0x12f: {  	s28 =	sshra.s32 s28, $0x2  }
0x130: {  	s28 =	sadd.s32 $0x4940, s28  }
.LBB2_16:
0x131: {  	v19 =	vld [tilespmem:s28+$0xFFFFFFC0]  }
0x132: {  	v20 =	vld [tilespmem:s28+$0xFFFFFFD0]  }
0x133: {  	v21 =	vld [tilespmem:s28+$0xFFFFFFE0]  }
0x134: {  	v22 =	vld [tilespmem:s28+$0xFFFFFFF0]  }
0x135: {  	v23 =	vld [tilespmem:s28+$0x0]  }
0x136: {  	v24 =	vld [tilespmem:s28+$0x10]  }
0x137: {  	v25 =	vld [tilespmem:s28+$0x20]  }
0x138: {  	v26 =	vld [tilespmem:s28+$0x30];
	p0 =	sne.s32 s26, $0x1;
	v14 =	vadd.f32 v19, v14  }
.Ltmp15:
0x139: {  	v10 =	vmax.f32 v10, v19;
	v15 =	vadd.f32 v20, v15;
	v13 =	vmax.f32 v13, v20;
	(pc) =	sbr.rel @p0 .LBB2_16-.Ltmp15, $4  }
0x13a: {  	v17 =	vadd.f32 v21, v17;
	v8 =	vmax.f32 v8, v21;
	v16 =	vadd.f32 v22, v16  }
0x13b: {  	v9 =	vmax.f32 v9, v22;
	v18 =	vadd.f32 v23, v18;
	v6 =	vmax.f32 v6, v23  }
0x13c: {  	v11 =	vadd.f32 v24, v11;
	v5 =	vmax.f32 v5, v24;
	v12 =	vadd.f32 v25, v12  }
0x13d: {  	s28 =	sadd.s32 $0x80, s28;
	s26 =	sadd.s32 $0xFFFFFFFF, s26;
	v3 =	vmax.f32 v3, v25;
	v7 =	vadd.f32 v26, v7;
	v4 =	vmax.f32 v4, v26  }
.LBB2_17:
0x13e: {  	s25 =	ssub.s32 s21, s25  }
0x13f: {  	p0 =	slt.s32 s25, $0x80  }
0x140: {  	s25 =	simm.s32 @!p0 $0x80  }
0x141: {  	s26 =	sshrl.u32 s25, $0x1F  }
0x142: {  	s26 =	sadd.s32 s26, s25  }
0x143: {  	s26 =	sand.u32 $0xFFFFFFFE, s26  }
0x144: {  	p0 =	slt.s32 s26, $0x1  }
.Ltmp16:
0x145: {  	_ = 	snop;
	(pc) =	sbr.rel @p0 .LBB2_21-.Ltmp16, $1  }
0x146: {  	_ =	sdelay $0x3  }
0x147: {  	s29 =	simm.s32 $0x8980  }
0x148: {  	v23 =	vld [tilespmem:s29+$0x0]  }
0x149: {  	v25 =	vld [tilespmem:s29+$0x10]  }
0x14a: {  	v26 =	vld [tilespmem:s29+$0x20]  }
0x14b: {  	v27 =	vld [tilespmem:s29+$0x30]  }
0x14c: {  	v21 =	vld [tilespmem:s29+$0xFFFFFF80]  }
0x14d: {  	v28 =	vld [tilespmem:s29+$0xFFFFFF90]  }
0x14e: {  	v29 =	vld [tilespmem:s29+$0xFFFFFFA0]  }
0x14f: {  	v30 =	vld [tilespmem:s29+$0xFFFFFFB0]  }
0x150: {  	v22 =	vld [tilespmem:s29+$0xFFFFFFC0]  }
0x151: {  	v19 =	vld [tilespmem:s29+$0x40]  }
0x152: {  	p0 =	sgt.s32 s26, $0x2;
	v20 =	vld [tilespmem:s29+$0x50];
	v14 =	vadd.f32 v21, v14;
	v15 =	vadd.f32 v28, v15  }
.Ltmp17:
0x153: {  	v24 =	vld [tilespmem:s29+$0xFFFFFFD0];
	v10 =	vmax.f32 v10, v21;
	v17 =	vadd.f32 v29, v17;
	v13 =	vmax.f32 v13, v28;
	(pc) =	sbr.rel @!p0 .LBB2_20-.Ltmp17, $4  }
0x154: {  	v21 =	vld [tilespmem:s29+$0xFFFFFFE0];
	v16 =	vadd.f32 v30, v16;
	v8 =	vmax.f32 v8, v29;
	v9 =	vmax.f32 v9, v30  }
0x155: {  	v18 =	vadd.f32 v22, v18;
	v10 =	vmax.f32 v10, v23;
	v14 =	vadd.f32 v23, v14;
	v23 =	vld [tilespmem:s29+$0xFFFFFFF0]  }
0x156: {  	v13 =	vmax.f32 v13, v25;
	v8 =	vmax.f32 v8, v26;
	v15 =	vadd.f32 v25, v15;
	v25 =	vld [tilespmem:s29+$0x60]  }
0x157: {  	s28 =	simm.s32 $0x2;
	v9 =	vmax.f32 v9, v27;
	v17 =	vadd.f32 v26, v17;
	v16 =	vadd.f32 v27, v16;
	v26 =	vld [tilespmem:s29+$0x70];
	s29 =	simm.s32 $0x8A80  }
.LBB2_19:
0x158: {  	v27 =	vld [tilespmem:s29+$0x0];
	v6 =	vmax.f32 v6, v22;
	v11 =	vadd.f32 v24, v11;
	v18 =	vadd.f32 v19, v18  }
0x159: {  	v5 =	vmax.f32 v5, v24;
	v28 =	vld [tilespmem:s29+$0x10];
	v12 =	vadd.f32 v21, v12;
	v6 =	vmax.f32 v6, v19  }
0x15a: {  	v5 =	vmax.f32 v5, v20;
	v29 =	vld [tilespmem:s29+$0x20];
	v7 =	vadd.f32 v23, v7;
	v11 =	vadd.f32 v20, v11  }
0x15b: {  	v3 =	vmax.f32 v3, v21;
	v4 =	vmax.f32 v4, v23;
	v30 =	vld [tilespmem:s29+$0x30];
	v12 =	vadd.f32 v25, v12  }
0x15c: {  	v3 =	vmax.f32 v3, v25;
	v21 =	vld [tilespmem:s29+$0xFFFFFF80];
	v7 =	vadd.f32 v26, v7;
	v4 =	vmax.f32 v4, v26  }
0x15d: {  	v23 =	vld [tilespmem:s29+$0xFFFFFF90]  }
0x15e: {  	v25 =	vld [tilespmem:s29+$0xFFFFFFA0]  }
0x15f: {  	v19 =	vld [tilespmem:s29+$0x40]  }
0x160: {  	v26 =	vld [tilespmem:s29+$0xFFFFFFB0]  }
0x161: {  	s28 =	sadd.s32 $0x2, s28;
	v14 =	vadd.f32 v21, v14;
	v22 =	vld [tilespmem:s29+$0xFFFFFFC0]  }
0x162: {  	p0 =	slt.s32 s28, s26;
	v15 =	vadd.f32 v23, v15;
	v20 =	vld [tilespmem:s29+$0x50]  }
.Ltmp18:
0x163: {  	v10 =	vmax.f32 v10, v21;
	v17 =	vadd.f32 v25, v17;
	v24 =	vld [tilespmem:s29+$0xFFFFFFD0];
	v14 =	vadd.f32 v27, v14;
	(pc) =	sbr.rel @p0 .LBB2_19-.Ltmp18, $4  }
0x164: {  	v13 =	vmax.f32 v13, v23;
	v10 =	vmax.f32 v10, v27;
	v21 =	vld [tilespmem:s29+$0xFFFFFFE0];
	v15 =	vadd.f32 v28, v15  }
0x165: {  	v13 =	vmax.f32 v13, v28;
	v16 =	vadd.f32 v26, v16;
	v23 =	vld [tilespmem:s29+$0xFFFFFFF0];
	v17 =	vadd.f32 v29, v17  }
0x166: {  	v8 =	vmax.f32 v8, v25;
	v9 =	vmax.f32 v9, v26;
	v18 =	vadd.f32 v22, v18;
	v25 =	vld [tilespmem:s29+$0x60]  }
0x167: {  	v8 =	vmax.f32 v8, v29;
	v9 =	vmax.f32 v9, v30;
	v16 =	vadd.f32 v30, v16;
	v26 =	vld [tilespmem:s29+$0x70];
	s29 =	sadd.s32 $0x100, s29  }
.LBB2_20:
0x168: {  	v6 =	vmax.f32 v6, v22;
	v18 =	vadd.f32 v19, v18;
	v5 =	vmax.f32 v5, v24  }
0x169: {  	v11 =	vadd.f32 v24, v11;
	v12 =	vadd.f32 v21, v12;
	v6 =	vmax.f32 v6, v19  }
0x16a: {  	v5 =	vmax.f32 v5, v20;
	v3 =	vmax.f32 v3, v21;
	v7 =	vadd.f32 v23, v7  }
0x16b: {  	v4 =	vmax.f32 v4, v23;
	v11 =	vadd.f32 v20, v11;
	v12 =	vadd.f32 v25, v12  }
0x16c: {  	v3 =	vmax.f32 v3, v25;
	v7 =	vadd.f32 v26, v7;
	v4 =	vmax.f32 v4, v26  }
.LBB2_21:
0x16d: {  	p0 =	sge.s32 s26, s25  }
.Ltmp19:
0x16e: {  	_ = 	snop;
	(pc) =	sbr.rel @p0 .LBB2_24-.Ltmp19, $1  }
0x16f: {  	_ =	sdelay $0x3  }
0x170: {  	p0 =	slt.s32 s23, $0x80;
	s28 =	smov.u32 s23  }
0x171: {  	s25 =	ssub.s32 s25, s26;
	s28 =	simm.s32 @!p0 $0x80  }
0x172: {  	s31 =	sshll.u32 s25, $0x9;
	s30 =	sshll.u32 s28, $0x9  }
0x173: {  	s26 =	ssub.s32 s30, s31  }
0x174: {  	s26 =	sshra.s32 s26, $0x2  }
0x175: {  	s26 =	sadd.s32 $0x8940, s26  }
.LBB2_23:
0x176: {  	v19 =	vld [tilespmem:s26+$0xFFFFFFC0]  }
0x177: {  	v20 =	vld [tilespmem:s26+$0xFFFFFFD0]  }
0x178: {  	v21 =	vld [tilespmem:s26+$0xFFFFFFE0]  }
0x179: {  	v22 =	vld [tilespmem:s26+$0xFFFFFFF0]  }
0x17a: {  	v23 =	vld [tilespmem:s26+$0x0]  }
0x17b: {  	v24 =	vld [tilespmem:s26+$0x10]  }
0x17c: {  	v25 =	vld [tilespmem:s26+$0x20]  }
0x17d: {  	v26 =	vld [tilespmem:s26+$0x30];
	p0 =	sne.s32 s25, $0x1;
	v14 =	vadd.f32 v19, v14  }
.Ltmp20:
0x17e: {  	v10 =	vmax.f32 v10, v19;
	v15 =	vadd.f32 v20, v15;
	v13 =	vmax.f32 v13, v20;
	(pc) =	sbr.rel @p0 .LBB2_23-.Ltmp20, $4  }
0x17f: {  	v17 =	vadd.f32 v21, v17;
	v8 =	vmax.f32 v8, v21;
	v16 =	vadd.f32 v22, v16  }
0x180: {  	v9 =	vmax.f32 v9, v22;
	v18 =	vadd.f32 v23, v18;
	v6 =	vmax.f32 v6, v23  }
0x181: {  	v11 =	vadd.f32 v24, v11;
	v5 =	vmax.f32 v5, v24;
	v12 =	vadd.f32 v25, v12  }
0x182: {  	s26 =	sadd.s32 $0x80, s26;
	s25 =	sadd.s32 $0xFFFFFFFF, s25;
	v3 =	vmax.f32 v3, v25;
	v7 =	vadd.f32 v26, v7;
	v4 =	vmax.f32 v4, v26  }
.Ltmp21:
0x183: {  	_ = 	snop;
	(pc) =	sbr.rel .LBB2_24-.Ltmp21, $1  }
0x184: {  	_ =	sdelay $0x3  }
.LBB2_8:
0x185: {  	v10 =	vimm.f32 $-1.000000000e+02  }
0x186: {  	v14 =	vimm.f32 $0.0e+00;
	v15 =	vimm.f32 $0.0e+00;
	v17 =	vimm.f32 $0.0e+00  }
0x187: {  	v16 =	vimm.f32 $0.0e+00;
	v18 =	vimm.f32 $0.0e+00;
	v11 =	vimm.f32 $0.0e+00  }
0x188: {  	v12 =	vimm.f32 $0.0e+00;
	v7 =	vimm.f32 $0.0e+00;
	v13 =	vimm.f32 $-1.000000000e+02  }
0x189: {  	v8 =	vimm.f32 $-1.000000000e+02;
	v9 =	vimm.f32 $-1.000000000e+02;
	v6 =	vimm.f32 $-1.000000000e+02  }
0x18a: {  	v5 =	vimm.f32 $-1.000000000e+02;
	v3 =	vimm.f32 $-1.000000000e+02;
	v4 =	vimm.f32 $-1.000000000e+02  }
.LBB2_25:
0x18b: {  	s19 =	ssub.s32 s18, s19  }
0x18c: {  	p0 =	sne.s32 s19, $0x1  }
.Ltmp22:
0x18d: {  	_ = 	snop;
	(pc) =	sbr.rel @p0 .LBB2_33-.Ltmp22, $1  }
0x18e: {  	_ =	sdelay $0x3  }
0x18f: {  	s18 =	sshll.u32 s18, $0x7  }
0x190: {  	s18 =	ssub.s32 s17, s18  }
0x191: {  	s18 =	sadd.s32 $0x80, s18  }
0x192: {  	p0 =	slt.s32 s18, $0x80  }
0x193: {  	s18 =	simm.s32 @!p0 $0x80  }
0x194: {  	s19 =	sshrl.u32 s18, $0x1F  }
0x195: {  	s19 =	sadd.s32 s19, s18  }
0x196: {  	s19 =	sand.u32 $0xFFFFFFFE, s19  }
0x197: {  	p0 =	slt.s32 s19, $0x1  }
.Ltmp23:
0x198: {  	_ = 	snop;
	(pc) =	sbr.rel @p0 .LBB2_30-.Ltmp23, $1  }
0x199: {  	_ =	sdelay $0x3  }
0x19a: {  	s21 =	simm.s32 $0x4980  }
0x19b: {  	v23 =	vld [tilespmem:s21+$0x0]  }
0x19c: {  	v25 =	vld [tilespmem:s21+$0x10]  }
0x19d: {  	v26 =	vld [tilespmem:s21+$0x20]  }
0x19e: {  	v27 =	vld [tilespmem:s21+$0x30]  }
0x19f: {  	v21 =	vld [tilespmem:s21+$0xFFFFFF80]  }
0x1a0: {  	v28 =	vld [tilespmem:s21+$0xFFFFFF90]  }
0x1a1: {  	v29 =	vld [tilespmem:s21+$0xFFFFFFA0]  }
0x1a2: {  	v30 =	vld [tilespmem:s21+$0xFFFFFFB0]  }
0x1a3: {  	v22 =	vld [tilespmem:s21+$0xFFFFFFC0]  }
0x1a4: {  	v19 =	vld [tilespmem:s21+$0x40]  }
0x1a5: {  	p0 =	sgt.s32 s19, $0x2;
	v20 =	vld [tilespmem:s21+$0x50];
	v14 =	vadd.f32 v21, v14;
	v15 =	vadd.f32 v28, v15  }
.Ltmp24:
0x1a6: {  	v24 =	vld [tilespmem:s21+$0xFFFFFFD0];
	v10 =	vmax.f32 v10, v21;
	v17 =	vadd.f32 v29, v17;
	v13 =	vmax.f32 v13, v28;
	(pc) =	sbr.rel @!p0 .LBB2_29-.Ltmp24, $4  }
0x1a7: {  	v21 =	vld [tilespmem:s21+$0xFFFFFFE0];
	v16 =	vadd.f32 v30, v16;
	v8 =	vmax.f32 v8, v29;
	v9 =	vmax.f32 v9, v30  }
0x1a8: {  	v18 =	vadd.f32 v22, v18;
	v10 =	vmax.f32 v10, v23;
	v14 =	vadd.f32 v23, v14;
	v23 =	vld [tilespmem:s21+$0xFFFFFFF0]  }
0x1a9: {  	v13 =	vmax.f32 v13, v25;
	v8 =	vmax.f32 v8, v26;
	v15 =	vadd.f32 v25, v15;
	v25 =	vld [tilespmem:s21+$0x60]  }
0x1aa: {  	s20 =	simm.s32 $0x2;
	v9 =	vmax.f32 v9, v27;
	v17 =	vadd.f32 v26, v17;
	v16 =	vadd.f32 v27, v16;
	v26 =	vld [tilespmem:s21+$0x70];
	s21 =	simm.s32 $0x4A80  }
.LBB2_28:
0x1ab: {  	v27 =	vld [tilespmem:s21+$0x0];
	v6 =	vmax.f32 v6, v22;
	v11 =	vadd.f32 v24, v11;
	v18 =	vadd.f32 v19, v18  }
0x1ac: {  	v5 =	vmax.f32 v5, v24;
	v28 =	vld [tilespmem:s21+$0x10];
	v12 =	vadd.f32 v21, v12;
	v6 =	vmax.f32 v6, v19  }
0x1ad: {  	v5 =	vmax.f32 v5, v20;
	v29 =	vld [tilespmem:s21+$0x20];
	v7 =	vadd.f32 v23, v7;
	v11 =	vadd.f32 v20, v11  }
0x1ae: {  	v3 =	vmax.f32 v3, v21;
	v4 =	vmax.f32 v4, v23;
	v30 =	vld [tilespmem:s21+$0x30];
	v12 =	vadd.f32 v25, v12  }
0x1af: {  	v3 =	vmax.f32 v3, v25;
	v21 =	vld [tilespmem:s21+$0xFFFFFF80];
	v7 =	vadd.f32 v26, v7;
	v4 =	vmax.f32 v4, v26  }
0x1b0: {  	v23 =	vld [tilespmem:s21+$0xFFFFFF90]  }
0x1b1: {  	v25 =	vld [tilespmem:s21+$0xFFFFFFA0]  }
0x1b2: {  	v19 =	vld [tilespmem:s21+$0x40]  }
0x1b3: {  	v26 =	vld [tilespmem:s21+$0xFFFFFFB0]  }
0x1b4: {  	s20 =	sadd.s32 $0x2, s20;
	v14 =	vadd.f32 v21, v14;
	v22 =	vld [tilespmem:s21+$0xFFFFFFC0]  }
0x1b5: {  	p0 =	slt.s32 s20, s19;
	v15 =	vadd.f32 v23, v15;
	v20 =	vld [tilespmem:s21+$0x50]  }
.Ltmp25:
0x1b6: {  	v10 =	vmax.f32 v10, v21;
	v17 =	vadd.f32 v25, v17;
	v24 =	vld [tilespmem:s21+$0xFFFFFFD0];
	v14 =	vadd.f32 v27, v14;
	(pc) =	sbr.rel @p0 .LBB2_28-.Ltmp25, $4  }
0x1b7: {  	v13 =	vmax.f32 v13, v23;
	v10 =	vmax.f32 v10, v27;
	v21 =	vld [tilespmem:s21+$0xFFFFFFE0];
	v15 =	vadd.f32 v28, v15  }
0x1b8: {  	v13 =	vmax.f32 v13, v28;
	v16 =	vadd.f32 v26, v16;
	v23 =	vld [tilespmem:s21+$0xFFFFFFF0];
	v17 =	vadd.f32 v29, v17  }
0x1b9: {  	v8 =	vmax.f32 v8, v25;
	v9 =	vmax.f32 v9, v26;
	v18 =	vadd.f32 v22, v18;
	v25 =	vld [tilespmem:s21+$0x60]  }
0x1ba: {  	v8 =	vmax.f32 v8, v29;
	v9 =	vmax.f32 v9, v30;
	v16 =	vadd.f32 v30, v16;
	v26 =	vld [tilespmem:s21+$0x70];
	s21 =	sadd.s32 $0x100, s21  }
.LBB2_29:
0x1bb: {  	v6 =	vmax.f32 v6, v22;
	v11 =	vadd.f32 v24, v11;
	v18 =	vadd.f32 v19, v18  }
0x1bc: {  	v5 =	vmax.f32 v5, v24;
	v12 =	vadd.f32 v21, v12;
	v6 =	vmax.f32 v6, v19  }
0x1bd: {  	v5 =	vmax.f32 v5, v20;
	v3 =	vmax.f32 v3, v21;
	v7 =	vadd.f32 v23, v7  }
0x1be: {  	v11 =	vadd.f32 v20, v11;
	v4 =	vmax.f32 v4, v23;
	v12 =	vadd.f32 v25, v12  }
0x1bf: {  	v3 =	vmax.f32 v3, v25;
	v7 =	vadd.f32 v26, v7;
	v4 =	vmax.f32 v4, v26  }
.LBB2_30:
0x1c0: {  	p0 =	sge.s32 s19, s18  }
.Ltmp26:
0x1c1: {  	_ = 	snop;
	(pc) =	sbr.rel @p0 .LBB2_33-.Ltmp26, $1  }
0x1c2: {  	_ =	sdelay $0x3  }
0x1c3: {  	s19 =	ssub.s32 s18, s19  }
0x1c4: {  	s31 =	sshll.u32 s18, $0x9;
	s20 =	sshll.u32 s19, $0x9  }
0x1c5: {  	s18 =	ssub.s32 s31, s20  }
0x1c6: {  	s18 =	sshra.s32 s18, $0x2  }
0x1c7: {  	s18 =	sadd.s32 $0x4940, s18  }
.LBB2_32:
0x1c8: {  	v19 =	vld [tilespmem:s18+$0xFFFFFFC0]  }
0x1c9: {  	v20 =	vld [tilespmem:s18+$0xFFFFFFD0]  }
0x1ca: {  	v21 =	vld [tilespmem:s18+$0xFFFFFFE0]  }
0x1cb: {  	v22 =	vld [tilespmem:s18+$0xFFFFFFF0]  }
0x1cc: {  	v23 =	vld [tilespmem:s18+$0x0]  }
0x1cd: {  	v24 =	vld [tilespmem:s18+$0x10]  }
0x1ce: {  	v25 =	vld [tilespmem:s18+$0x20]  }
0x1cf: {  	v26 =	vld [tilespmem:s18+$0x30];
	p0 =	sne.s32 s19, $0x1;
	v14 =	vadd.f32 v19, v14  }
.Ltmp27:
0x1d0: {  	v10 =	vmax.f32 v10, v19;
	v15 =	vadd.f32 v20, v15;
	v13 =	vmax.f32 v13, v20;
	(pc) =	sbr.rel @p0 .LBB2_32-.Ltmp27, $4  }
0x1d1: {  	v17 =	vadd.f32 v21, v17;
	v8 =	vmax.f32 v8, v21;
	v16 =	vadd.f32 v22, v16  }
0x1d2: {  	v9 =	vmax.f32 v9, v22;
	v18 =	vadd.f32 v23, v18;
	v6 =	vmax.f32 v6, v23  }
0x1d3: {  	v11 =	vadd.f32 v24, v11;
	v5 =	vmax.f32 v5, v24;
	v12 =	vadd.f32 v25, v12  }
0x1d4: {  	s18 =	sadd.s32 $0x80, s18;
	s19 =	sadd.s32 $0xFFFFFFFF, s19;
	v3 =	vmax.f32 v3, v25;
	v7 =	vadd.f32 v26, v7;
	v4 =	vmax.f32 v4, v26  }
.Ltmp28:
0x1d5: {  	_ = 	snop;
	(pc) =	sbr.rel .LBB2_33-.Ltmp28, $1  }
0x1d6: {  	_ =	sdelay $0x3  }
.LBB2_36:
0x1d7: {  	_ =	sfence.sel $0x180000  }
0x1d8: {  	[bflag:$0x0] =	sbarrier.arrive $0xFFFF  }
0x1d9: {  	p0 =	sne.s32 s2, $0x0;
	_ =	strace $0x90000047  }
0x1da: {  	s0 =	sadd.s32 @!p0 $0x100000, s0;
	[bflag:$0x2] =	sbarrier.arrive $0xFFFF  }
0x1db: {  	[sflag:s0] =	ssyncadd.tile.s32 @!p0 $0x1;
	_ =	shalt  }
.Lfunc_end2:
_tile_overlayer_lowered:
.L_overlay_start_2:
0x1dc: {  	(tag) =	ssettag $0x2  }
0x1dd: {  	s0 =	rddreg [dreg:$0x0];
	s2 =	stileid.u32  }
0x1de: {  	s1 =	rddreg [dreg:$0x1];
	p0 =	sne.s32 s2, $0x0  }
0x1df: {  	s3 =	rddreg [dreg:$0x2];
	[bflag:$0x3] =	sbarrier.arrive $0xFFFF;
	s2 =	simm.s32 @!p0 $0x1C02  }
0x1e0: {  	[timem:s3], [sflag:s2] =	dma.local @!p0 [hbm:s0], s1  }
0x1e1: {  	s0 =	simm.s32 @!p0 $0x2  }
0x1e2: {  	_ =	swait.ge @!p0 [sflag:s0], s1  }
0x1e3: {  	s1 =	ssub.s32 @!p0 $0x0, s1;
	[sflag:s0] =	ssyncset.done @!p0 $0x0  }
0x1e4: {  	[sflag:s0] =	ssyncadd.s32 @!p0 s1  }
0x1e5: {  	[bflag:$0x3] =	sbarrier.arrive $0xFFFF  }
0x1e6: {  	_ =	shalt  }

</sc_bundles>
